<compile_context>
chip_gen: v7x
topology: tpu7x:2x2x1
jax: 0.10.2.dev20260603
libtpu: 0.0.44.dev20260713+nightly
codegen_flags: <defaults>
</compile_context>

<pallas_src>
import functools

import jax
import jax.numpy as jnp
from jax import lax
from jax.experimental import pallas as pl
from jax.experimental.pallas import tpu as pltpu
from jax.experimental.pallas import tpu_sc as plsc

N = 10000
NPAD = 10240
E = 160000
EPAD = 163840
EXTRA = EPAD - E
PAD_ROW = 10016
BATCH = 128
EB = EPAD // 16 // BATCH
SEC = 16
RPT = NPAD // 16
NB = 512
GRID = NPAD // NB
D_HID = 512
NCHUNK = 4

_mesh = plsc.VectorSubcoreMesh(core_axis_name="c", subcore_axis_name="s")


@functools.partial(
    pl.kernel,
    mesh=_mesh,
    out_type=jax.ShapeDtypeStruct((NPAD,), jnp.float32),
    scratch_types=[
        pltpu.VMEM((EB, BATCH), jnp.int32),
        pltpu.VMEM((RPT,), jnp.float32),
        pltpu.VMEM((BATCH,), jnp.float32),
        pltpu.VMEM_SHARED((NPAD,), jnp.float32),
    ],
)
def _sc_deg(dstr_hbm, deg_hbm, dst_v, init_v, ones_v, deg_acc):
    core = lax.axis_index("c")
    sid = lax.axis_index("s")

    @pl.when(core == 0)
    def _():
        def fill(i, c):
            init_v[pl.ds(i * 16, 16)] = jnp.full((16,), 1.0, jnp.float32)
            return c
        lax.fori_loop(0, RPT // 16, fill, 0)
        for k in range(BATCH // 16):
            ones_v[pl.ds(k * 16, 16)] = jnp.full((16,), 1.0, jnp.float32)
        pltpu.sync_copy(dstr_hbm.at[sid], dst_v)
        pltpu.sync_copy(init_v, deg_acc.at[pl.ds(sid * RPT, RPT)])
        plsc.subcore_barrier()

        def body(j, c):
            pltpu.sync_copy(ones_v, deg_acc.at[dst_v.at[j]], add=True)
            return c
        lax.fori_loop(0, EB, body, 0)
        plsc.subcore_barrier()
        pltpu.sync_copy(deg_acc.at[pl.ds(sid * RPT, RPT)],
                        deg_hbm.at[pl.ds(sid * RPT, RPT)])


@functools.partial(
    pl.kernel,
    mesh=_mesh,
    out_type=jax.ShapeDtypeStruct((NCHUNK, NPAD, 128), jnp.float32),
    scratch_types=[
        pltpu.VMEM((SEC, BATCH), jnp.int32),
        pltpu.VMEM((SEC, BATCH), jnp.int32),
        pltpu.VMEM((2, BATCH, 128), jnp.float32),
        pltpu.VMEM_SHARED((NPAD, 128), jnp.float32),
        pltpu.SemaphoreType.DMA,
    ],
)
def _sc_agg(p_hbm, srcr_hbm, dstr_hbm, out_hbm, src_v, dst_v, gbuf, accum,
            sem):
    core = lax.axis_index("c")
    sid = lax.axis_index("s")
    for ci in range(2):
        chunk = core * 2 + ci
        tbl = p_hbm.at[chunk]
        pltpu.sync_copy(p_hbm.at[chunk, pl.ds(sid * RPT, RPT)],
                        accum.at[pl.ds(sid * RPT, RPT)])
        plsc.subcore_barrier()

        def sec_body(sc, c):
            pltpu.sync_copy(srcr_hbm.at[sid, pl.ds(sc * SEC, SEC)], src_v)
            pltpu.sync_copy(dstr_hbm.at[sid, pl.ds(sc * SEC, SEC)], dst_v)
            pltpu.async_copy(tbl.at[src_v.at[0]], gbuf.at[0], sem)

            def body(j, c2):
                par = lax.rem(j, 2)
                nxt = lax.rem(j + 1, 2)

                @pl.when(j + 1 < SEC)
                def _():
                    pltpu.async_copy(tbl.at[src_v.at[j + 1]], gbuf.at[nxt],
                                     sem)
                pltpu.make_async_copy(tbl.at[src_v.at[j]], gbuf.at[par],
                                      sem).wait()
                pltpu.sync_copy(gbuf.at[par], accum.at[dst_v.at[j]], add=True)
                return c2
            lax.fori_loop(0, SEC, body, 0)
            return c
        lax.fori_loop(0, EB // SEC, sec_body, 0)
        plsc.subcore_barrier()
        pltpu.sync_copy(accum.at[pl.ds(sid * RPT, RPT)],
                        out_hbm.at[chunk, pl.ds(sid * RPT, RPT)])


def _tc1_body(x_ref, w_ref, deg_ref, out_ref):
    h = jnp.dot(x_ref[...], w_ref[...], preferred_element_type=jnp.float32)
    dinv = lax.rsqrt(deg_ref[...])
    p = h * dinv
    for c in range(NCHUNK):
        out_ref[c] = p[:, c * 128:(c + 1) * 128]


def _tc1(xp, W1, deg2):
    return pl.pallas_call(
        _tc1_body,
        grid=(GRID,),
        in_specs=[
            pl.BlockSpec((NB, 256), lambda i: (i, 0)),
            pl.BlockSpec((256, D_HID), lambda i: (0, 0)),
            pl.BlockSpec((NB, 1), lambda i: (i, 0)),
        ],
        out_specs=pl.BlockSpec((NCHUNK, NB, 128), lambda i: (0, i, 0)),
        out_shape=jax.ShapeDtypeStruct((NCHUNK, NPAD, 128), jnp.float32),
    )(xp, W1, deg2)


def _tc2_body(s_ref, deg_ref, b_ref, w_ref, out_ref):
    dinv = lax.rsqrt(deg_ref[...])
    s = jnp.concatenate([s_ref[c] for c in range(NCHUNK)], axis=1)
    h1 = jnp.maximum(s * dinv + b_ref[...], 0.0)
    p = jnp.dot(h1, w_ref[...], preferred_element_type=jnp.float32) * dinv
    for c in range(NCHUNK):
        out_ref[c] = p[:, c * 128:(c + 1) * 128]


def _tc2(s1, deg2, b1, W2):
    return pl.pallas_call(
        _tc2_body,
        grid=(GRID,),
        in_specs=[
            pl.BlockSpec((NCHUNK, NB, 128), lambda i: (0, i, 0)),
            pl.BlockSpec((NB, 1), lambda i: (i, 0)),
            pl.BlockSpec((1, D_HID), lambda i: (0, 0)),
            pl.BlockSpec((D_HID, D_HID), lambda i: (0, 0)),
        ],
        out_specs=pl.BlockSpec((NCHUNK, NB, 128), lambda i: (0, i, 0)),
        out_shape=jax.ShapeDtypeStruct((NCHUNK, NPAD, 128), jnp.float32),
    )(s1, deg2, b1, W2)


def _tc3_body(s_ref, deg_ref, b_ref, wfc_ref, bfc_ref, out_ref, acc_ref):
    i = pl.program_id(0)
    dinv = lax.rsqrt(deg_ref[...])
    rows = lax.broadcasted_iota(jnp.int32, (NB, 1), 0) + i * NB
    mask = rows < N
    s = jnp.concatenate([s_ref[c] for c in range(NCHUNK)], axis=1)
    h2 = jnp.maximum(s * dinv + b_ref[...], 0.0)
    h2 = jnp.where(mask, h2, 0.0)
    part = jnp.sum(h2, axis=0, keepdims=True)

    @pl.when(i == 0)
    def _():
        acc_ref[...] = part

    @pl.when(i > 0)
    def _():
        acc_ref[...] = acc_ref[...] + part

    @pl.when(i == pl.num_programs(0) - 1)
    def _():
        pooled = acc_ref[...] * (1.0 / N)
        out_ref[...] = jnp.dot(pooled, wfc_ref[...],
                               preferred_element_type=jnp.float32) + bfc_ref[...]


def _tc3(s2, deg2, b2, Wfc, bfc):
    return pl.pallas_call(
        _tc3_body,
        grid=(GRID,),
        in_specs=[
            pl.BlockSpec((NCHUNK, NB, 128), lambda i: (0, i, 0)),
            pl.BlockSpec((NB, 1), lambda i: (i, 0)),
            pl.BlockSpec((1, D_HID), lambda i: (0, 0)),
            pl.BlockSpec((D_HID, 256), lambda i: (0, 0)),
            pl.BlockSpec((1, 256), lambda i: (0, 0)),
        ],
        out_specs=pl.BlockSpec((1, 256), lambda i: (0, 0)),
        out_shape=jax.ShapeDtypeStruct((1, 256), jnp.float32),
        scratch_shapes=[pltpu.VMEM((1, D_HID), jnp.float32)],
    )(s2, deg2, b2, Wfc, bfc)


def kernel(x, edge_index, W1, b1, W2, b2, Wfc, bfc):
    ei = edge_index.astype(jnp.int32)
    src = jnp.concatenate([ei[0], jnp.zeros((EXTRA,), jnp.int32)])
    dst = jnp.concatenate([ei[1], jnp.full((EXTRA,), PAD_ROW, jnp.int32)])
    src_r = src.reshape(16, EB, BATCH)
    dst_r = dst.reshape(16, EB, BATCH)
    xp = jnp.pad(x, ((0, NPAD - N), (0, 0)))

    deg = _sc_deg(dst_r)
    deg2 = deg.reshape(NPAD, 1)
    p1 = _tc1(xp, W1, deg2)
    s1 = _sc_agg(p1, src_r, dst_r)
    p2 = _tc2(s1, deg2, b1.reshape(1, D_HID), W2)
    s2 = _sc_agg(p2, src_r, dst_r)
    out = _tc3(s2, deg2, b2.reshape(1, D_HID), Wfc, bfc.reshape(1, 256))
    return out.reshape(256)

# --- scband reference (transcript-rebuilt; emitter-appended) ---
"""Pipeline reference for scband-secure-gnn-14267881357789 (READ-ONLY COPY).

The authoritative reference and input builder live on the scoring server;
editing this copy changes nothing except your own understanding.
"""

import jax, jax.numpy as jnp
import numpy as np


def gcn_conv(x, edge_index, W, b):
    num_nodes = x.shape[0]
    src = edge_index[0]
    dst = edge_index[1]
    loop = jnp.arange(num_nodes, dtype=edge_index.dtype)
    src = jnp.concatenate([src, loop])
    dst = jnp.concatenate([dst, loop])
    deg = jnp.zeros((num_nodes,), dtype=x.dtype).at[dst].add(1.0)
    dinv = jnp.where(deg > 0, 1.0 / jnp.sqrt(deg), 0.0)
    norm = dinv[src] * dinv[dst]
    h = x @ W
    msgs = h[src] * norm[:, None]
    out = jnp.zeros((num_nodes, W.shape[1]), dtype=x.dtype).at[dst].add(msgs)
    return out + b


def setup_inputs(seed: int = 0) -> dict:
    key = jax.random.key(seed)
    ks = jax.random.split(key, 8)
    n_nodes, n_edges = 10000, 160000
    d_in, d_hid, d_out = 256, 512, 256
    x = jax.random.normal(ks[0], (n_nodes, d_in), dtype=jnp.float32)
    edge_index = jax.random.randint(ks[1], (2, n_edges), 0, n_nodes, dtype=jnp.int64)
    W1 = jax.random.normal(ks[2], (d_in, d_hid), dtype=jnp.float32) * (1.0 / np.sqrt(d_in))
    b1 = jnp.zeros((d_hid,), dtype=jnp.float32)
    W2 = jax.random.normal(ks[3], (d_hid, d_hid), dtype=jnp.float32) * (1.0 / np.sqrt(d_hid))
    b2 = jnp.zeros((d_hid,), dtype=jnp.float32)
    Wfc = jax.random.normal(ks[4], (d_hid, d_out), dtype=jnp.float32) * (1.0 / np.sqrt(d_hid))
    bfc = jnp.zeros((d_out,), dtype=jnp.float32)
    return {"x": x, "edge_index": edge_index, "W1": W1, "b1": b1, "W2": W2, "b2": b2, "Wfc": Wfc, "bfc": bfc}


def reference(x, edge_index, W1, b1, W2, b2, Wfc, bfc):
    h = gcn_conv(x, edge_index, W1, b1)
    h = jax.nn.relu(h)
    h = gcn_conv(h, edge_index, W2, b2)
    h = jax.nn.relu(h)
    pooled = jnp.mean(h, axis=0)
    out = pooled @ Wfc + bfc
    return out

if __name__ == "__main__":
    import jax
    _d = setup_inputs()
    print(jax.jit(kernel)(*tuple(_d.values())))

</pallas_src>

<mosaic_0001>
#map = affine_map<(d0, d1) -> (0, 0, 0)>
#map1 = affine_map<(d0, d1) -> (0)>
module attributes {stable_mosaic.version = 14 : i64} {
  func.func @_sc_deg(%arg0: i32, %arg1: i32, %arg2: memref<16x80x128xi32, #tpu.memory_space<hbm>>, %arg3: memref<10240xf32, #tpu.memory_space<hbm>>, %arg4: memref<80x128xi32, #tpu.memory_space<vmem>>, %arg5: memref<640xf32, #tpu.memory_space<vmem>>, %arg6: memref<128xf32, #tpu.memory_space<vmem>>, %arg7: memref<10240xf32, #tpu.memory_space<vmem_shared>>) attributes {dimension_semantics = [#tpu.dimension_semantics<core_parallel>, #tpu.dimension_semantics<subcore_parallel>], iteration_bounds = array<i64: 2, 16>, scalar_prefetch = 0 : i64, scratch_operands = 4 : i64, tpu.core_type = #tpu.core_type<sc_vector_subcore>, window_params = [{transform_indices = #map}, {transform_indices = #map1}]} {
    %eq3A = arith.constant 0 : i32
    %eq3A_0 = arith.cmpi eq, %arg0, %eq3A : i32
    %convert_element_type3A = arith.extui %eq3A_0 : i1 to i32
    %cond3A = arith.constant 0 : i32
    %cond3A_1 = arith.cmpi ne, %convert_element_type3A, %cond3A : i32
    scf.if %cond3A_1 {
      %scan3A = arith.constant 0 : i32
      %scan3A_2 = arith.constant 0 : i32
      %scan3A_3 = arith.constant 40 : i32
      %scan3A_4 = arith.addi %scan3A_2, %scan3A_3 : i32
      %scan3A_5 = arith.constant 1 : i32
      scf.for %scan3A_65 = %scan3A_2 to %scan3A_4 step %scan3A_5  : i32 {
        %broadcast_in_dim3A_66 = arith.constant 1.000000e+00 : f32
        %broadcast_in_dim3A_67 = vector.broadcast %broadcast_in_dim3A_66 : f32 to vector<16xf32>
        %mul3A_68 = arith.constant 16 : i32
        %mul3A_69 = arith.muli %scan3A_65, %mul3A_68 : i32
        %swap3A_70 = arith.index_cast %mul3A_69 : i32 to index
        %swap3A_71 = tpu.vector_load %arg5[%swap3A_70] {strides = array<i32>} : memref<640xf32, #tpu.memory_space<vmem>>, vector<16xf32>,
        %swap3A_72 = vector.shape_cast %swap3A_71 : vector<16xf32> to vector<16xf32>
        %swap3A_73 = vector.shape_cast %broadcast_in_dim3A_67 : vector<16xf32> to vector<16xf32>
        tpu.vector_store %arg5[%swap3A_70], %swap3A_73 {strides = array<i32>} : memref<640xf32, #tpu.memory_space<vmem>>, vector<16xf32>,
      }
      %scan3A_6 = arith.constant 40 : i32
      %broadcast_in_dim3A = arith.constant 1.000000e+00 : f32
      %broadcast_in_dim3A_7 = vector.broadcast %broadcast_in_dim3A : f32 to vector<16xf32>
      %swap3A = arith.constant 0 : index
      %swap3A_8 = tpu.vector_load %arg6[%swap3A] {strides = array<i32>} : memref<128xf32, #tpu.memory_space<vmem>>, vector<16xf32>,
      %swap3A_9 = vector.shape_cast %swap3A_8 : vector<16xf32> to vector<16xf32>
      %swap3A_10 = vector.shape_cast %broadcast_in_dim3A_7 : vector<16xf32> to vector<16xf32>
      tpu.vector_store %arg6[%swap3A], %swap3A_10 {strides = array<i32>} : memref<128xf32, #tpu.memory_space<vmem>>, vector<16xf32>,
      %broadcast_in_dim3A_11 = arith.constant 1.000000e+00 : f32
      %broadcast_in_dim3A_12 = vector.broadcast %broadcast_in_dim3A_11 : f32 to vector<16xf32>
      %swap3A_13 = arith.constant 16 : index
      %swap3A_14 = tpu.vector_load %arg6[%swap3A_13] {strides = array<i32>} : memref<128xf32, #tpu.memory_space<vmem>>, vector<16xf32>,
      %swap3A_15 = vector.shape_cast %swap3A_14 : vector<16xf32> to vector<16xf32>
      %swap3A_16 = vector.shape_cast %broadcast_in_dim3A_12 : vector<16xf32> to vector<16xf32>
      tpu.vector_store %arg6[%swap3A_13], %swap3A_16 {strides = array<i32>} : memref<128xf32, #tpu.memory_space<vmem>>, vector<16xf32>,
      %broadcast_in_dim3A_17 = arith.constant 1.000000e+00 : f32
      %broadcast_in_dim3A_18 = vector.broadcast %broadcast_in_dim3A_17 : f32 to vector<16xf32>
      %swap3A_19 = arith.constant 32 : index
      %swap3A_20 = tpu.vector_load %arg6[%swap3A_19] {strides = array<i32>} : memref<128xf32, #tpu.memory_space<vmem>>, vector<16xf32>,
      %swap3A_21 = vector.shape_cast %swap3A_20 : vector<16xf32> to vector<16xf32>
      %swap3A_22 = vector.shape_cast %broadcast_in_dim3A_18 : vector<16xf32> to vector<16xf32>
      tpu.vector_store %arg6[%swap3A_19], %swap3A_22 {strides = array<i32>} : memref<128xf32, #tpu.memory_space<vmem>>, vector<16xf32>,
      %broadcast_in_dim3A_23 = arith.constant 1.000000e+00 : f32
      %broadcast_in_dim3A_24 = vector.broadcast %broadcast_in_dim3A_23 : f32 to vector<16xf32>
      %swap3A_25 = arith.constant 48 : index
      %swap3A_26 = tpu.vector_load %arg6[%swap3A_25] {strides = array<i32>} : memref<128xf32, #tpu.memory_space<vmem>>, vector<16xf32>,
      %swap3A_27 = vector.shape_cast %swap3A_26 : vector<16xf32> to vector<16xf32>
      %swap3A_28 = vector.shape_cast %broadcast_in_dim3A_24 : vector<16xf32> to vector<16xf32>
      tpu.vector_store %arg6[%swap3A_25], %swap3A_28 {strides = array<i32>} : memref<128xf32, #tpu.memory_space<vmem>>, vector<16xf32>,
      %broadcast_in_dim3A_29 = arith.constant 1.000000e+00 : f32
      %broadcast_in_dim3A_30 = vector.broadcast %broadcast_in_dim3A_29 : f32 to vector<16xf32>
      %swap3A_31 = arith.constant 64 : index
      %swap3A_32 = tpu.vector_load %arg6[%swap3A_31] {strides = array<i32>} : memref<128xf32, #tpu.memory_space<vmem>>, vector<16xf32>,
      %swap3A_33 = vector.shape_cast %swap3A_32 : vector<16xf32> to vector<16xf32>
      %swap3A_34 = vector.shape_cast %broadcast_in_dim3A_30 : vector<16xf32> to vector<16xf32>
      tpu.vector_store %arg6[%swap3A_31], %swap3A_34 {strides = array<i32>} : memref<128xf32, #tpu.memory_space<vmem>>, vector<16xf32>,
      %broadcast_in_dim3A_35 = arith.constant 1.000000e+00 : f32
      %broadcast_in_dim3A_36 = vector.broadcast %broadcast_in_dim3A_35 : f32 to vector<16xf32>
      %swap3A_37 = arith.constant 80 : index
      %swap3A_38 = tpu.vector_load %arg6[%swap3A_37] {strides = array<i32>} : memref<128xf32, #tpu.memory_space<vmem>>, vector<16xf32>,
      %swap3A_39 = vector.shape_cast %swap3A_38 : vector<16xf32> to vector<16xf32>
      %swap3A_40 = vector.shape_cast %broadcast_in_dim3A_36 : vector<16xf32> to vector<16xf32>
      tpu.vector_store %arg6[%swap3A_37], %swap3A_40 {strides = array<i32>} : memref<128xf32, #tpu.memory_space<vmem>>, vector<16xf32>,
      %broadcast_in_dim3A_41 = arith.constant 1.000000e+00 : f32
      %broadcast_in_dim3A_42 = vector.broadcast %broadcast_in_dim3A_41 : f32 to vector<16xf32>
      %swap3A_43 = arith.constant 96 : index
      %swap3A_44 = tpu.vector_load %arg6[%swap3A_43] {strides = array<i32>} : memref<128xf32, #tpu.memory_space<vmem>>, vector<16xf32>,
      %swap3A_45 = vector.shape_cast %swap3A_44 : vector<16xf32> to vector<16xf32>
      %swap3A_46 = vector.shape_cast %broadcast_in_dim3A_42 : vector<16xf32> to vector<16xf32>
      tpu.vector_store %arg6[%swap3A_43], %swap3A_46 {strides = array<i32>} : memref<128xf32, #tpu.memory_space<vmem>>, vector<16xf32>,
      %broadcast_in_dim3A_47 = arith.constant 1.000000e+00 : f32
      %broadcast_in_dim3A_48 = vector.broadcast %broadcast_in_dim3A_47 : f32 to vector<16xf32>
      %swap3A_49 = arith.constant 112 : index
      %swap3A_50 = tpu.vector_load %arg6[%swap3A_49] {strides = array<i32>} : memref<128xf32, #tpu.memory_space<vmem>>, vector<16xf32>,
      %swap3A_51 = vector.shape_cast %swap3A_50 : vector<16xf32> to vector<16xf32>
      %swap3A_52 = vector.shape_cast %broadcast_in_dim3A_48 : vector<16xf32> to vector<16xf32>
      tpu.vector_store %arg6[%swap3A_49], %swap3A_52 {strides = array<i32>} : memref<128xf32, #tpu.memory_space<vmem>>, vector<16xf32>,
      "tpu.region"() ({
        %run_scoped3A = tpu.sem_alloc : memref<!tpu.dma_semaphore, #tpu.memory_space<semaphore_mem>>
        %dma_start3A = arith.constant 0 : i32
        %dma_start3A_65 = arith.constant 0 : i32
        %dma_start3A_66 = tpu.memref_slice %arg2[%arg1, %dma_start3A, %dma_start3A_65] : memref<16x80x128xi32, #tpu.memory_space<hbm>> -> memref<1x80x128xi32, #tpu.memory_space<hbm>>
        %dma_start3A_67 = tpu.memref_squeeze %dma_start3A_66 : memref<1x80x128xi32, #tpu.memory_space<hbm>> -> memref<80x128xi32, #tpu.memory_space<hbm>>
        %dma_start3A_68 = arith.constant 0 : i32
        %dma_start3A_69 = arith.constant 0 : i32
        %dma_start3A_70 = tpu.memref_slice %arg2[%arg1, %dma_start3A_68, %dma_start3A_69] : memref<16x80x128xi32, #tpu.memory_space<hbm>> -> memref<1x80x128xi32, #tpu.memory_space<hbm>>
        %dma_start3A_71 = tpu.memref_squeeze %dma_start3A_70 : memref<1x80x128xi32, #tpu.memory_space<hbm>> -> memref<80x128xi32, #tpu.memory_space<hbm>>
        tpu.enqueue_dma source(%dma_start3A_71 : memref<80x128xi32, #tpu.memory_space<hbm>>) target(%arg4 : memref<80x128xi32, #tpu.memory_space<vmem>>) target_semaphore(%run_scoped3A : memref<!tpu.dma_semaphore, #tpu.memory_space<semaphore_mem>>)
        %dma_wait3A = arith.constant 0 : i32
        %dma_wait3A_72 = arith.constant 0 : i32
        %dma_wait3A_73 = tpu.memref_slice %arg2[%arg1, %dma_wait3A, %dma_wait3A_72] : memref<16x80x128xi32, #tpu.memory_space<hbm>> -> memref<1x80x128xi32, #tpu.memory_space<hbm>>
        %dma_wait3A_74 = tpu.memref_squeeze %dma_wait3A_73 : memref<1x80x128xi32, #tpu.memory_space<hbm>> -> memref<80x128xi32, #tpu.memory_space<hbm>>
        %dma_wait3A_75 = arith.constant 0 : i32
        %dma_wait3A_76 = arith.constant 0 : i32
        %dma_wait3A_77 = tpu.memref_slice %arg2[%arg1, %dma_wait3A_75, %dma_wait3A_76] : memref<16x80x128xi32, #tpu.memory_space<hbm>> -> memref<1x80x128xi32, #tpu.memory_space<hbm>>
        %dma_wait3A_78 = tpu.memref_squeeze %dma_wait3A_77 : memref<1x80x128xi32, #tpu.memory_space<hbm>> -> memref<80x128xi32, #tpu.memory_space<hbm>>
        tpu.wait_dma2 semaphore(%run_scoped3A : memref<!tpu.dma_semaphore, #tpu.memory_space<semaphore_mem>>) src(%dma_wait3A_78 : memref<80x128xi32, #tpu.memory_space<hbm>>) dst(%arg4 : memref<80x128xi32, #tpu.memory_space<vmem>>)
        tpu.yield
      }) : () -> ()
      %mul3A = arith.constant 640 : i32
      %mul3A_53 = arith.muli %arg1, %mul3A : i32
      "tpu.region"() ({
        %run_scoped3A = tpu.sem_alloc : memref<!tpu.dma_semaphore, #tpu.memory_space<semaphore_mem>>
        %dma_start3A = tpu.memref_slice %arg7[%mul3A_53] : memref<10240xf32, #tpu.memory_space<vmem_shared>> -> memref<640xf32, #tpu.memory_space<vmem_shared>>
        %dma_start3A_65 = tpu.memref_slice %arg7[%mul3A_53] : memref<10240xf32, #tpu.memory_space<vmem_shared>> -> memref<640xf32, #tpu.memory_space<vmem_shared>>
        tpu.enqueue_dma source(%arg5 : memref<640xf32, #tpu.memory_space<vmem>>) target(%dma_start3A_65 : memref<640xf32, #tpu.memory_space<vmem_shared>>) target_semaphore(%run_scoped3A : memref<!tpu.dma_semaphore, #tpu.memory_space<semaphore_mem>>)
        %dma_wait3A = tpu.memref_slice %arg7[%mul3A_53] : memref<10240xf32, #tpu.memory_space<vmem_shared>> -> memref<640xf32, #tpu.memory_space<vmem_shared>>
        %dma_wait3A_66 = tpu.memref_slice %arg7[%mul3A_53] : memref<10240xf32, #tpu.memory_space<vmem_shared>> -> memref<640xf32, #tpu.memory_space<vmem_shared>>
        tpu.wait_dma2 semaphore(%run_scoped3A : memref<!tpu.dma_semaphore, #tpu.memory_space<semaphore_mem>>) src(%arg5 : memref<640xf32, #tpu.memory_space<vmem>>) dst(%dma_wait3A_66 : memref<640xf32, #tpu.memory_space<vmem_shared>>)
        tpu.yield
      }) : () -> ()
      %barrier3A = arith.constant 0 : index
      tpu.barrier barrier_id(%barrier3A)
      %scan3A_54 = arith.constant 0 : i32
      %scan3A_55 = arith.constant 0 : i32
      %scan3A_56 = arith.constant 80 : i32
      %scan3A_57 = arith.addi %scan3A_55, %scan3A_56 : i32
      %scan3A_58 = arith.constant 1 : i32
      scf.for %scan3A_65 = %scan3A_55 to %scan3A_57 step %scan3A_58  : i32 {
        "tpu.region"() ({
          %run_scoped3A = tpu.sem_alloc : memref<!tpu.dma_semaphore, #tpu.memory_space<semaphore_mem>>
          %dma_start3A = arith.constant 0 : i32
          %dma_start3A_66 = tpu.memref_slice %arg4[%scan3A_65, %dma_start3A] : memref<80x128xi32, #tpu.memory_space<vmem>> -> memref<1x128xi32, #tpu.memory_space<vmem>>
          %dma_start3A_67 = tpu.memref_squeeze %dma_start3A_66 : memref<1x128xi32, #tpu.memory_space<vmem>> -> memref<128xi32, #tpu.memory_space<vmem>>
          %dma_start3A_68 = arith.constant 0 : i32
          %dma_start3A_69 = tpu.memref_slice %arg7[%dma_start3A_68] : memref<10240xf32, #tpu.memory_space<vmem_shared>> -> memref<10240xf32, #tpu.memory_space<vmem_shared>>
          tpu.enqueue_indirect_dma source(%arg6 : memref<128xf32, #tpu.memory_space<vmem>>) target(%dma_start3A_69 : memref<10240xf32, #tpu.memory_space<vmem_shared>>) offsets(%dma_start3A_67 : memref<128xi32, #tpu.memory_space<vmem>>) semaphore(%run_scoped3A : memref<!tpu.dma_semaphore, #tpu.memory_space<semaphore_mem>>) {add = true}
          %dma_wait3A = arith.constant 0 : i32
          %dma_wait3A_70 = tpu.memref_slice %arg4[%scan3A_65, %dma_wait3A] : memref<80x128xi32, #tpu.memory_space<vmem>> -> memref<1x128xi32, #tpu.memory_space<vmem>>
          %dma_wait3A_71 = tpu.memref_squeeze %dma_wait3A_70 : memref<1x128xi32, #tpu.memory_space<vmem>> -> memref<128xi32, #tpu.memory_space<vmem>>
          %dma_wait3A_72 = arith.constant 0 : i32
          %dma_wait3A_73 = tpu.memref_slice %arg7[%dma_wait3A_72] : memref<10240xf32, #tpu.memory_space<vmem_shared>> -> memref<10240xf32, #tpu.memory_space<vmem_shared>>
          tpu.wait_indirect_dma semaphore(%run_scoped3A : memref<!tpu.dma_semaphore, #tpu.memory_space<semaphore_mem>>) src(%arg6 : memref<128xf32, #tpu.memory_space<vmem>>) dst(%dma_wait3A_73 : memref<10240xf32, #tpu.memory_space<vmem_shared>>)
          tpu.yield
        }) : () -> ()
      }
      %scan3A_59 = arith.constant 80 : i32
      %barrier3A_60 = arith.constant 0 : index
      tpu.barrier barrier_id(%barrier3A_60)
      %mul3A_61 = arith.constant 640 : i32
      %mul3A_62 = arith.muli %arg1, %mul3A_61 : i32
      %mul3A_63 = arith.constant 640 : i32
      %mul3A_64 = arith.muli %arg1, %mul3A_63 : i32
      "tpu.region"() ({
        %run_scoped3A = tpu.sem_alloc : memref<!tpu.dma_semaphore, #tpu.memory_space<semaphore_mem>>
        %dma_start3A = tpu.memref_slice %arg3[%mul3A_64] : memref<10240xf32, #tpu.memory_space<hbm>> -> memref<640xf32, #tpu.memory_space<hbm>>
        %dma_start3A_65 = tpu.memref_slice %arg7[%mul3A_62] : memref<10240xf32, #tpu.memory_space<vmem_shared>> -> memref<640xf32, #tpu.memory_space<vmem_shared>>
        tpu.enqueue_dma source(%dma_start3A_65 : memref<640xf32, #tpu.memory_space<vmem_shared>>) target(%dma_start3A : memref<640xf32, #tpu.memory_space<hbm>>) target_semaphore(%run_scoped3A : memref<!tpu.dma_semaphore, #tpu.memory_space<semaphore_mem>>)
        %dma_wait3A = tpu.memref_slice %arg3[%mul3A_64] : memref<10240xf32, #tpu.memory_space<hbm>> -> memref<640xf32, #tpu.memory_space<hbm>>
        %dma_wait3A_66 = tpu.memref_slice %arg7[%mul3A_62] : memref<10240xf32, #tpu.memory_space<vmem_shared>> -> memref<640xf32, #tpu.memory_space<vmem_shared>>
        tpu.wait_dma2 semaphore(%run_scoped3A : memref<!tpu.dma_semaphore, #tpu.memory_space<semaphore_mem>>) src(%dma_wait3A_66 : memref<640xf32, #tpu.memory_space<vmem_shared>>) dst(%dma_wait3A : memref<640xf32, #tpu.memory_space<hbm>>)
        tpu.yield
      }) : () -> ()
    } else {
    }
    return
  }
}

#map = affine_map<(d0, d1) -> (0, 0, 0)>
module attributes {stable_mosaic.version = 14 : i64} {
  func.func @_sc_agg(%arg0: i32, %arg1: i32, %arg2: memref<4x10240x128xf32, #tpu.memory_space<hbm>>, %arg3: memref<16x80x128xi32, #tpu.memory_space<hbm>>, %arg4: memref<16x80x128xi32, #tpu.memory_space<hbm>>, %arg5: memref<4x10240x128xf32, #tpu.memory_space<hbm>>, %arg6: memref<16x128xi32, #tpu.memory_space<vmem>>, %arg7: memref<16x128xi32, #tpu.memory_space<vmem>>, %arg8: memref<2x128x128xf32, #tpu.memory_space<vmem>>, %arg9: memref<10240x128xf32, #tpu.memory_space<vmem_shared>>, %arg10: memref<!tpu.dma_semaphore, #tpu.memory_space<semaphore_mem>>) attributes {dimension_semantics = [#tpu.dimension_semantics<core_parallel>, #tpu.dimension_semantics<subcore_parallel>], iteration_bounds = array<i64: 2, 16>, scalar_prefetch = 0 : i64, scratch_operands = 5 : i64, tpu.core_type = #tpu.core_type<sc_vector_subcore>, window_params = [{transform_indices = #map}, {transform_indices = #map}, {transform_indices = #map}, {transform_indices = #map}]} {
    %mul3A = arith.constant 2 : i32
    %mul3A_0 = arith.muli %arg0, %mul3A : i32
    %add3A = arith.constant 0 : i32
    %add3A_1 = arith.addi %mul3A_0, %add3A : i32
    %mul3A_2 = arith.constant 640 : i32
    %mul3A_3 = arith.muli %arg1, %mul3A_2 : i32
    %mul3A_4 = arith.constant 640 : i32
    %mul3A_5 = arith.muli %arg1, %mul3A_4 : i32
    "tpu.region"() ({
      %run_scoped3A = tpu.sem_alloc : memref<!tpu.dma_semaphore, #tpu.memory_space<semaphore_mem>>
      %dma_start3A = arith.constant 0 : i32
      %dma_start3A_36 = tpu.memref_slice %arg9[%mul3A_5, %dma_start3A] : memref<10240x128xf32, #tpu.memory_space<vmem_shared>> -> memref<640x128xf32, #tpu.memory_space<vmem_shared>>
      %dma_start3A_37 = arith.constant 0 : i32
      %dma_start3A_38 = tpu.memref_slice %arg2[%add3A_1, %mul3A_3, %dma_start3A_37] : memref<4x10240x128xf32, #tpu.memory_space<hbm>> -> memref<1x640x128xf32, #tpu.memory_space<hbm>>
      %dma_start3A_39 = tpu.memref_squeeze %dma_start3A_38 : memref<1x640x128xf32, #tpu.memory_space<hbm>> -> memref<640x128xf32, #tpu.memory_space<hbm>>
      tpu.enqueue_dma source(%dma_start3A_39 : memref<640x128xf32, #tpu.memory_space<hbm>>) target(%dma_start3A_36 : memref<640x128xf32, #tpu.memory_space<vmem_shared>>) target_semaphore(%run_scoped3A : memref<!tpu.dma_semaphore, #tpu.memory_space<semaphore_mem>>)
      %dma_wait3A = arith.constant 0 : i32
      %dma_wait3A_40 = tpu.memref_slice %arg9[%mul3A_5, %dma_wait3A] : memref<10240x128xf32, #tpu.memory_space<vmem_shared>> -> memref<640x128xf32, #tpu.memory_space<vmem_shared>>
      %dma_wait3A_41 = arith.constant 0 : i32
      %dma_wait3A_42 = tpu.memref_slice %arg2[%add3A_1, %mul3A_3, %dma_wait3A_41] : memref<4x10240x128xf32, #tpu.memory_space<hbm>> -> memref<1x640x128xf32, #tpu.memory_space<hbm>>
      %dma_wait3A_43 = tpu.memref_squeeze %dma_wait3A_42 : memref<1x640x128xf32, #tpu.memory_space<hbm>> -> memref<640x128xf32, #tpu.memory_space<hbm>>
      tpu.wait_dma2 semaphore(%run_scoped3A : memref<!tpu.dma_semaphore, #tpu.memory_space<semaphore_mem>>) src(%dma_wait3A_43 : memref<640x128xf32, #tpu.memory_space<hbm>>) dst(%dma_wait3A_40 : memref<640x128xf32, #tpu.memory_space<vmem_shared>>)
      tpu.yield
    }) : () -> ()
    %barrier3A = arith.constant 0 : index
    tpu.barrier barrier_id(%barrier3A)
    %scan3A = arith.constant 0 : i32
    %scan3A_6 = arith.constant 0 : i32
    %scan3A_7 = arith.constant 5 : i32
    %scan3A_8 = arith.addi %scan3A_6, %scan3A_7 : i32
    %scan3A_9 = arith.constant 1 : i32
    scf.for %scan3A_36 = %scan3A_6 to %scan3A_8 step %scan3A_9  : i32 {
      %mul3A_37 = arith.constant 16 : i32
      %mul3A_38 = arith.muli %scan3A_36, %mul3A_37 : i32
      "tpu.region"() ({
        %run_scoped3A = tpu.sem_alloc : memref<!tpu.dma_semaphore, #tpu.memory_space<semaphore_mem>>
        %dma_start3A_62 = arith.constant 0 : i32
        %dma_start3A_63 = tpu.memref_slice %arg3[%arg1, %mul3A_38, %dma_start3A_62] : memref<16x80x128xi32, #tpu.memory_space<hbm>> -> memref<1x16x128xi32, #tpu.memory_space<hbm>>
        %dma_start3A_64 = tpu.memref_squeeze %dma_start3A_63 : memref<1x16x128xi32, #tpu.memory_space<hbm>> -> memref<16x128xi32, #tpu.memory_space<hbm>>
        %dma_start3A_65 = arith.constant 0 : i32
        %dma_start3A_66 = tpu.memref_slice %arg3[%arg1, %mul3A_38, %dma_start3A_65] : memref<16x80x128xi32, #tpu.memory_space<hbm>> -> memref<1x16x128xi32, #tpu.memory_space<hbm>>
        %dma_start3A_67 = tpu.memref_squeeze %dma_start3A_66 : memref<1x16x128xi32, #tpu.memory_space<hbm>> -> memref<16x128xi32, #tpu.memory_space<hbm>>
        tpu.enqueue_dma source(%dma_start3A_67 : memref<16x128xi32, #tpu.memory_space<hbm>>) target(%arg6 : memref<16x128xi32, #tpu.memory_space<vmem>>) target_semaphore(%run_scoped3A : memref<!tpu.dma_semaphore, #tpu.memory_space<semaphore_mem>>)
        %dma_wait3A = arith.constant 0 : i32
        %dma_wait3A_68 = tpu.memref_slice %arg3[%arg1, %mul3A_38, %dma_wait3A] : memref<16x80x128xi32, #tpu.memory_space<hbm>> -> memref<1x16x128xi32, #tpu.memory_space<hbm>>
        %dma_wait3A_69 = tpu.memref_squeeze %dma_wait3A_68 : memref<1x16x128xi32, #tpu.memory_space<hbm>> -> memref<16x128xi32, #tpu.memory_space<hbm>>
        %dma_wait3A_70 = arith.constant 0 : i32
        %dma_wait3A_71 = tpu.memref_slice %arg3[%arg1, %mul3A_38, %dma_wait3A_70] : memref<16x80x128xi32, #tpu.memory_space<hbm>> -> memref<1x16x128xi32, #tpu.memory_space<hbm>>
        %dma_wait3A_72 = tpu.memref_squeeze %dma_wait3A_71 : memref<1x16x128xi32, #tpu.memory_space<hbm>> -> memref<16x128xi32, #tpu.memory_space<hbm>>
        tpu.wait_dma2 semaphore(%run_scoped3A : memref<!tpu.dma_semaphore, #tpu.memory_space<semaphore_mem>>) src(%dma_wait3A_72 : memref<16x128xi32, #tpu.memory_space<hbm>>) dst(%arg6 : memref<16x128xi32, #tpu.memory_space<vmem>>)
        tpu.yield
      }) : () -> ()
      %mul3A_39 = arith.constant 16 : i32
      %mul3A_40 = arith.muli %scan3A_36, %mul3A_39 : i32
      "tpu.region"() ({
        %run_scoped3A = tpu.sem_alloc : memref<!tpu.dma_semaphore, #tpu.memory_space<semaphore_mem>>
        %dma_start3A_62 = arith.constant 0 : i32
        %dma_start3A_63 = tpu.memref_slice %arg4[%arg1, %mul3A_40, %dma_start3A_62] : memref<16x80x128xi32, #tpu.memory_space<hbm>> -> memref<1x16x128xi32, #tpu.memory_space<hbm>>
        %dma_start3A_64 = tpu.memref_squeeze %dma_start3A_63 : memref<1x16x128xi32, #tpu.memory_space<hbm>> -> memref<16x128xi32, #tpu.memory_space<hbm>>
        %dma_start3A_65 = arith.constant 0 : i32
        %dma_start3A_66 = tpu.memref_slice %arg4[%arg1, %mul3A_40, %dma_start3A_65] : memref<16x80x128xi32, #tpu.memory_space<hbm>> -> memref<1x16x128xi32, #tpu.memory_space<hbm>>
        %dma_start3A_67 = tpu.memref_squeeze %dma_start3A_66 : memref<1x16x128xi32, #tpu.memory_space<hbm>> -> memref<16x128xi32, #tpu.memory_space<hbm>>
        tpu.enqueue_dma source(%dma_start3A_67 : memref<16x128xi32, #tpu.memory_space<hbm>>) target(%arg7 : memref<16x128xi32, #tpu.memory_space<vmem>>) target_semaphore(%run_scoped3A : memref<!tpu.dma_semaphore, #tpu.memory_space<semaphore_mem>>)
        %dma_wait3A = arith.constant 0 : i32
        %dma_wait3A_68 = tpu.memref_slice %arg4[%arg1, %mul3A_40, %dma_wait3A] : memref<16x80x128xi32, #tpu.memory_space<hbm>> -> memref<1x16x128xi32, #tpu.memory_space<hbm>>
        %dma_wait3A_69 = tpu.memref_squeeze %dma_wait3A_68 : memref<1x16x128xi32, #tpu.memory_space<hbm>> -> memref<16x128xi32, #tpu.memory_space<hbm>>
        %dma_wait3A_70 = arith.constant 0 : i32
        %dma_wait3A_71 = tpu.memref_slice %arg4[%arg1, %mul3A_40, %dma_wait3A_70] : memref<16x80x128xi32, #tpu.memory_space<hbm>> -> memref<1x16x128xi32, #tpu.memory_space<hbm>>
        %dma_wait3A_72 = tpu.memref_squeeze %dma_wait3A_71 : memref<1x16x128xi32, #tpu.memory_space<hbm>> -> memref<16x128xi32, #tpu.memory_space<hbm>>
        tpu.wait_dma2 semaphore(%run_scoped3A : memref<!tpu.dma_semaphore, #tpu.memory_space<semaphore_mem>>) src(%dma_wait3A_72 : memref<16x128xi32, #tpu.memory_space<hbm>>) dst(%arg7 : memref<16x128xi32, #tpu.memory_space<vmem>>)
        tpu.yield
      }) : () -> ()
      %dma_start3A = arith.constant 0 : i32
      %dma_start3A_41 = arith.constant 0 : i32
      %dma_start3A_42 = arith.constant 0 : i32
      %dma_start3A_43 = arith.constant 0 : i32
      %dma_start3A_44 = tpu.memref_slice %arg8[%dma_start3A_41, %dma_start3A_42, %dma_start3A_43] : memref<2x128x128xf32, #tpu.memory_space<vmem>> -> memref<1x128x128xf32, #tpu.memory_space<vmem>>
      %dma_start3A_45 = tpu.memref_squeeze %dma_start3A_44 : memref<1x128x128xf32, #tpu.memory_space<vmem>> -> memref<128x128xf32, #tpu.memory_space<vmem>>
      %dma_start3A_46 = arith.constant 0 : i32
      %dma_start3A_47 = tpu.memref_slice %arg6[%dma_start3A, %dma_start3A_46] : memref<16x128xi32, #tpu.memory_space<vmem>> -> memref<1x128xi32, #tpu.memory_space<vmem>>
      %dma_start3A_48 = tpu.memref_squeeze %dma_start3A_47 : memref<1x128xi32, #tpu.memory_space<vmem>> -> memref<128xi32, #tpu.memory_space<vmem>>
      %dma_start3A_49 = arith.constant 0 : i32
      %dma_start3A_50 = arith.constant 0 : i32
      %dma_start3A_51 = tpu.memref_slice %arg2[%add3A_1, %dma_start3A_49, %dma_start3A_50] : memref<4x10240x128xf32, #tpu.memory_space<hbm>> -> memref<1x10240x128xf32, #tpu.memory_space<hbm>>
      %dma_start3A_52 = tpu.memref_squeeze %dma_start3A_51 : memref<1x10240x128xf32, #tpu.memory_space<hbm>> -> memref<10240x128xf32, #tpu.memory_space<hbm>>
      %dma_start3A_53 = arith.constant 0 : i32
      %dma_start3A_54 = arith.constant 0 : i32
      %dma_start3A_55 = tpu.memref_slice %dma_start3A_52[%dma_start3A_53, %dma_start3A_54] : memref<10240x128xf32, #tpu.memory_space<hbm>> -> memref<10240x128xf32, #tpu.memory_space<hbm>>
      tpu.enqueue_indirect_dma source(%dma_start3A_55 : memref<10240x128xf32, #tpu.memory_space<hbm>>) target(%dma_start3A_45 : memref<128x128xf32, #tpu.memory_space<vmem>>) offsets(%dma_start3A_48 : memref<128xi32, #tpu.memory_space<vmem>>) semaphore(%arg10 : memref<!tpu.dma_semaphore, #tpu.memory_space<semaphore_mem>>)
      %scan3A_56 = arith.constant 0 : i32
      %scan3A_57 = arith.constant 0 : i32
      %scan3A_58 = arith.constant 16 : i32
      %scan3A_59 = arith.addi %scan3A_57, %scan3A_58 : i32
      %scan3A_60 = arith.constant 1 : i32
      scf.for %scan3A_62 = %scan3A_57 to %scan3A_59 step %scan3A_60  : i32 {
        %rem3A = arith.constant 2 : i32
        %rem3A_63 = arith.remsi %scan3A_62, %rem3A : i32
        %add3A_64 = arith.constant 1 : i32
        %add3A_65 = arith.addi %scan3A_62, %add3A_64 : i32
        %rem3A_66 = arith.constant 2 : i32
        %rem3A_67 = arith.remsi %add3A_65, %rem3A_66 : i32
        %add3A_68 = arith.constant 1 : i32
        %add3A_69 = arith.addi %scan3A_62, %add3A_68 : i32
        %lt3A = arith.constant 16 : i32
        %lt3A_70 = arith.cmpi slt, %add3A_69, %lt3A : i32
        %convert_element_type3A = arith.extui %lt3A_70 : i1 to i32
        %cond3A = arith.constant 0 : i32
        %cond3A_71 = arith.cmpi ne, %convert_element_type3A, %cond3A : i32
        scf.if %cond3A_71 {
          %add3A_85 = arith.constant 1 : i32
          %add3A_86 = arith.addi %scan3A_62, %add3A_85 : i32
          %dma_start3A_87 = arith.constant 0 : i32
          %dma_start3A_88 = arith.constant 0 : i32
          %dma_start3A_89 = tpu.memref_slice %arg8[%rem3A_67, %dma_start3A_87, %dma_start3A_88] : memref<2x128x128xf32, #tpu.memory_space<vmem>> -> memref<1x128x128xf32, #tpu.memory_space<vmem>>
          %dma_start3A_90 = tpu.memref_squeeze %dma_start3A_89 : memref<1x128x128xf32, #tpu.memory_space<vmem>> -> memref<128x128xf32, #tpu.memory_space<vmem>>
          %dma_start3A_91 = arith.constant 0 : i32
          %dma_start3A_92 = tpu.memref_slice %arg6[%add3A_86, %dma_start3A_91] : memref<16x128xi32, #tpu.memory_space<vmem>> -> memref<1x128xi32, #tpu.memory_space<vmem>>
          %dma_start3A_93 = tpu.memref_squeeze %dma_start3A_92 : memref<1x128xi32, #tpu.memory_space<vmem>> -> memref<128xi32, #tpu.memory_space<vmem>>
          %dma_start3A_94 = arith.constant 0 : i32
          %dma_start3A_95 = arith.constant 0 : i32
          %dma_start3A_96 = tpu.memref_slice %arg2[%add3A_1, %dma_start3A_94, %dma_start3A_95] : memref<4x10240x128xf32, #tpu.memory_space<hbm>> -> memref<1x10240x128xf32, #tpu.memory_space<hbm>>
          %dma_start3A_97 = tpu.memref_squeeze %dma_start3A_96 : memref<1x10240x128xf32, #tpu.memory_space<hbm>> -> memref<10240x128xf32, #tpu.memory_space<hbm>>
          %dma_start3A_98 = arith.constant 0 : i32
          %dma_start3A_99 = arith.constant 0 : i32
          %dma_start3A_100 = tpu.memref_slice %dma_start3A_97[%dma_start3A_98, %dma_start3A_99] : memref<10240x128xf32, #tpu.memory_space<hbm>> -> memref<10240x128xf32, #tpu.memory_space<hbm>>
          tpu.enqueue_indirect_dma source(%dma_start3A_100 : memref<10240x128xf32, #tpu.memory_space<hbm>>) target(%dma_start3A_90 : memref<128x128xf32, #tpu.memory_space<vmem>>) offsets(%dma_start3A_93 : memref<128xi32, #tpu.memory_space<vmem>>) semaphore(%arg10 : memref<!tpu.dma_semaphore, #tpu.memory_space<semaphore_mem>>)
        } else {
        }
        %dma_wait3A = arith.constant 0 : i32
        %dma_wait3A_72 = arith.constant 0 : i32
        %dma_wait3A_73 = tpu.memref_slice %arg8[%rem3A_63, %dma_wait3A, %dma_wait3A_72] : memref<2x128x128xf32, #tpu.memory_space<vmem>> -> memref<1x128x128xf32, #tpu.memory_space<vmem>>
        %dma_wait3A_74 = tpu.memref_squeeze %dma_wait3A_73 : memref<1x128x128xf32, #tpu.memory_space<vmem>> -> memref<128x128xf32, #tpu.memory_space<vmem>>
        %dma_wait3A_75 = arith.constant 0 : i32
        %dma_wait3A_76 = tpu.memref_slice %arg6[%scan3A_62, %dma_wait3A_75] : memref<16x128xi32, #tpu.memory_space<vmem>> -> memref<1x128xi32, #tpu.memory_space<vmem>>
        %dma_wait3A_77 = tpu.memref_squeeze %dma_wait3A_76 : memref<1x128xi32, #tpu.memory_space<vmem>> -> memref<128xi32, #tpu.memory_space<vmem>>
        %dma_wait3A_78 = arith.constant 0 : i32
        %dma_wait3A_79 = arith.constant 0 : i32
        %dma_wait3A_80 = tpu.memref_slice %arg2[%add3A_1, %dma_wait3A_78, %dma_wait3A_79] : memref<4x10240x128xf32, #tpu.memory_space<hbm>> -> memref<1x10240x128xf32, #tpu.memory_space<hbm>>
        %dma_wait3A_81 = tpu.memref_squeeze %dma_wait3A_80 : memref<1x10240x128xf32, #tpu.memory_space<hbm>> -> memref<10240x128xf32, #tpu.memory_space<hbm>>
        %dma_wait3A_82 = arith.constant 0 : i32
        %dma_wait3A_83 = arith.constant 0 : i32
        %dma_wait3A_84 = tpu.memref_slice %dma_wait3A_81[%dma_wait3A_82, %dma_wait3A_83] : memref<10240x128xf32, #tpu.memory_space<hbm>> -> memref<10240x128xf32, #tpu.memory_space<hbm>>
        tpu.wait_indirect_dma semaphore(%arg10 : memref<!tpu.dma_semaphore, #tpu.memory_space<semaphore_mem>>) src(%dma_wait3A_84 : memref<10240x128xf32, #tpu.memory_space<hbm>>) dst(%dma_wait3A_74 : memref<128x128xf32, #tpu.memory_space<vmem>>)
        "tpu.region"() ({
          %run_scoped3A = tpu.sem_alloc : memref<!tpu.dma_semaphore, #tpu.memory_space<semaphore_mem>>
          %dma_start3A_85 = arith.constant 0 : i32
          %dma_start3A_86 = arith.constant 0 : i32
          %dma_start3A_87 = tpu.memref_slice %arg8[%rem3A_63, %dma_start3A_85, %dma_start3A_86] : memref<2x128x128xf32, #tpu.memory_space<vmem>> -> memref<1x128x128xf32, #tpu.memory_space<vmem>>
          %dma_start3A_88 = tpu.memref_squeeze %dma_start3A_87 : memref<1x128x128xf32, #tpu.memory_space<vmem>> -> memref<128x128xf32, #tpu.memory_space<vmem>>
          %dma_start3A_89 = arith.constant 0 : i32
          %dma_start3A_90 = tpu.memref_slice %arg7[%scan3A_62, %dma_start3A_89] : memref<16x128xi32, #tpu.memory_space<vmem>> -> memref<1x128xi32, #tpu.memory_space<vmem>>
          %dma_start3A_91 = tpu.memref_squeeze %dma_start3A_90 : memref<1x128xi32, #tpu.memory_space<vmem>> -> memref<128xi32, #tpu.memory_space<vmem>>
          %dma_start3A_92 = arith.constant 0 : i32
          %dma_start3A_93 = arith.constant 0 : i32
          %dma_start3A_94 = tpu.memref_slice %arg9[%dma_start3A_92, %dma_start3A_93] : memref<10240x128xf32, #tpu.memory_space<vmem_shared>> -> memref<10240x128xf32, #tpu.memory_space<vmem_shared>>
          tpu.enqueue_indirect_dma source(%dma_start3A_88 : memref<128x128xf32, #tpu.memory_space<vmem>>) target(%dma_start3A_94 : memref<10240x128xf32, #tpu.memory_space<vmem_shared>>) offsets(%dma_start3A_91 : memref<128xi32, #tpu.memory_space<vmem>>) semaphore(%run_scoped3A : memref<!tpu.dma_semaphore, #tpu.memory_space<semaphore_mem>>) {add = true}
          %dma_wait3A_95 = arith.constant 0 : i32
          %dma_wait3A_96 = arith.constant 0 : i32
          %dma_wait3A_97 = tpu.memref_slice %arg8[%rem3A_63, %dma_wait3A_95, %dma_wait3A_96] : memref<2x128x128xf32, #tpu.memory_space<vmem>> -> memref<1x128x128xf32, #tpu.memory_space<vmem>>
          %dma_wait3A_98 = tpu.memref_squeeze %dma_wait3A_97 : memref<1x128x128xf32, #tpu.memory_space<vmem>> -> memref<128x128xf32, #tpu.memory_space<vmem>>
          %dma_wait3A_99 = arith.constant 0 : i32
          %dma_wait3A_100 = tpu.memref_slice %arg7[%scan3A_62, %dma_wait3A_99] : memref<16x128xi32, #tpu.memory_space<vmem>> -> memref<1x128xi32, #tpu.memory_space<vmem>>
          %dma_wait3A_101 = tpu.memref_squeeze %dma_wait3A_100 : memref<1x128xi32, #tpu.memory_space<vmem>> -> memref<128xi32, #tpu.memory_space<vmem>>
          %dma_wait3A_102 = arith.constant 0 : i32
          %dma_wait3A_103 = arith.constant 0 : i32
          %dma_wait3A_104 = tpu.memref_slice %arg9[%dma_wait3A_102, %dma_wait3A_103] : memref<10240x128xf32, #tpu.memory_space<vmem_shared>> -> memref<10240x128xf32, #tpu.memory_space<vmem_shared>>
          tpu.wait_indirect_dma semaphore(%run_scoped3A : memref<!tpu.dma_semaphore, #tpu.memory_space<semaphore_mem>>) src(%dma_wait3A_98 : memref<128x128xf32, #tpu.memory_space<vmem>>) dst(%dma_wait3A_104 : memref<10240x128xf32, #tpu.memory_space<vmem_shared>>)
          tpu.yield
        }) : () -> ()
      }
      %scan3A_61 = arith.constant 16 : i32
    }
    %scan3A_10 = arith.constant 5 : i32
    %barrier3A_11 = arith.constant 0 : index
    tpu.barrier barrier_id(%barrier3A_11)
    %mul3A_12 = arith.constant 640 : i32
    %mul3A_13 = arith.muli %arg1, %mul3A_12 : i32
    %mul3A_14 = arith.constant 640 : i32
    %mul3A_15 = arith.muli %arg1, %mul3A_14 : i32
    "tpu.region"() ({
      %run_scoped3A = tpu.sem_alloc : memref<!tpu.dma_semaphore, #tpu.memory_space<semaphore_mem>>
      %dma_start3A = arith.constant 0 : i32
      %dma_start3A_36 = tpu.memref_slice %arg5[%add3A_1, %mul3A_15, %dma_start3A] : memref<4x10240x128xf32, #tpu.memory_space<hbm>> -> memref<1x640x128xf32, #tpu.memory_space<hbm>>
      %dma_start3A_37 = tpu.memref_squeeze %dma_start3A_36 : memref<1x640x128xf32, #tpu.memory_space<hbm>> -> memref<640x128xf32, #tpu.memory_space<hbm>>
      %dma_start3A_38 = arith.constant 0 : i32
      %dma_start3A_39 = tpu.memref_slice %arg9[%mul3A_13, %dma_start3A_38] : memref<10240x128xf32, #tpu.memory_space<vmem_shared>> -> memref<640x128xf32, #tpu.memory_space<vmem_shared>>
      tpu.enqueue_dma source(%dma_start3A_39 : memref<640x128xf32, #tpu.memory_space<vmem_shared>>) target(%dma_start3A_37 : memref<640x128xf32, #tpu.memory_space<hbm>>) target_semaphore(%run_scoped3A : memref<!tpu.dma_semaphore, #tpu.memory_space<semaphore_mem>>)
      %dma_wait3A = arith.constant 0 : i32
      %dma_wait3A_40 = tpu.memref_slice %arg5[%add3A_1, %mul3A_15, %dma_wait3A] : memref<4x10240x128xf32, #tpu.memory_space<hbm>> -> memref<1x640x128xf32, #tpu.memory_space<hbm>>
      %dma_wait3A_41 = tpu.memref_squeeze %dma_wait3A_40 : memref<1x640x128xf32, #tpu.memory_space<hbm>> -> memref<640x128xf32, #tpu.memory_space<hbm>>
      %dma_wait3A_42 = arith.constant 0 : i32
      %dma_wait3A_43 = tpu.memref_slice %arg9[%mul3A_13, %dma_wait3A_42] : memref<10240x128xf32, #tpu.memory_space<vmem_shared>> -> memref<640x128xf32, #tpu.memory_space<vmem_shared>>
      tpu.wait_dma2 semaphore(%run_scoped3A : memref<!tpu.dma_semaphore, #tpu.memory_space<semaphore_mem>>) src(%dma_wait3A_43 : memref<640x128xf32, #tpu.memory_space<vmem_shared>>) dst(%dma_wait3A_41 : memref<640x128xf32, #tpu.memory_space<hbm>>)
      tpu.yield
    }) : () -> ()
    %mul3A_16 = arith.constant 2 : i32
    %mul3A_17 = arith.muli %arg0, %mul3A_16 : i32
    %add3A_18 = arith.constant 1 : i32
    %add3A_19 = arith.addi %mul3A_17, %add3A_18 : i32
    %mul3A_20 = arith.constant 640 : i32
    %mul3A_21 = arith.muli %arg1, %mul3A_20 : i32
    %mul3A_22 = arith.constant 640 : i32
    %mul3A_23 = arith.muli %arg1, %mul3A_22 : i32
    "tpu.region"() ({
      %run_scoped3A = tpu.sem_alloc : memref<!tpu.dma_semaphore, #tpu.memory_space<semaphore_mem>>
      %dma_start3A = arith.constant 0 : i32
      %dma_start3A_36 = tpu.memref_slice %arg9[%mul3A_23, %dma_start3A] : memref<10240x128xf32, #tpu.memory_space<vmem_shared>> -> memref<640x128xf32, #tpu.memory_space<vmem_shared>>
      %dma_start3A_37 = arith.constant 0 : i32
      %dma_start3A_38 = tpu.memref_slice %arg2[%add3A_19, %mul3A_21, %dma_start3A_37] : memref<4x10240x128xf32, #tpu.memory_space<hbm>> -> memref<1x640x128xf32, #tpu.memory_space<hbm>>
      %dma_start3A_39 = tpu.memref_squeeze %dma_start3A_38 : memref<1x640x128xf32, #tpu.memory_space<hbm>> -> memref<640x128xf32, #tpu.memory_space<hbm>>
      tpu.enqueue_dma source(%dma_start3A_39 : memref<640x128xf32, #tpu.memory_space<hbm>>) target(%dma_start3A_36 : memref<640x128xf32, #tpu.memory_space<vmem_shared>>) target_semaphore(%run_scoped3A : memref<!tpu.dma_semaphore, #tpu.memory_space<semaphore_mem>>)
      %dma_wait3A = arith.constant 0 : i32
      %dma_wait3A_40 = tpu.memref_slice %arg9[%mul3A_23, %dma_wait3A] : memref<10240x128xf32, #tpu.memory_space<vmem_shared>> -> memref<640x128xf32, #tpu.memory_space<vmem_shared>>
      %dma_wait3A_41 = arith.constant 0 : i32
      %dma_wait3A_42 = tpu.memref_slice %arg2[%add3A_19, %mul3A_21, %dma_wait3A_41] : memref<4x10240x128xf32, #tpu.memory_space<hbm>> -> memref<1x640x128xf32, #tpu.memory_space<hbm>>
      %dma_wait3A_43 = tpu.memref_squeeze %dma_wait3A_42 : memref<1x640x128xf32, #tpu.memory_space<hbm>> -> memref<640x128xf32, #tpu.memory_space<hbm>>
      tpu.wait_dma2 semaphore(%run_scoped3A : memref<!tpu.dma_semaphore, #tpu.memory_space<semaphore_mem>>) src(%dma_wait3A_43 : memref<640x128xf32, #tpu.memory_space<hbm>>) dst(%dma_wait3A_40 : memref<640x128xf32, #tpu.memory_space<vmem_shared>>)
      tpu.yield
    }) : () -> ()
    %barrier3A_24 = arith.constant 0 : index
    tpu.barrier barrier_id(%barrier3A_24)
    %scan3A_25 = arith.constant 0 : i32
    %scan3A_26 = arith.constant 0 : i32
    %scan3A_27 = arith.constant 5 : i32
    %scan3A_28 = arith.addi %scan3A_26, %scan3A_27 : i32
    %scan3A_29 = arith.constant 1 : i32
    scf.for %scan3A_36 = %scan3A_26 to %scan3A_28 step %scan3A_29  : i32 {
      %mul3A_37 = arith.constant 16 : i32
      %mul3A_38 = arith.muli %scan3A_36, %mul3A_37 : i32
      "tpu.region"() ({
        %run_scoped3A = tpu.sem_alloc : memref<!tpu.dma_semaphore, #tpu.memory_space<semaphore_mem>>
        %dma_start3A_62 = arith.constant 0 : i32
        %dma_start3A_63 = tpu.memref_slice %arg3[%arg1, %mul3A_38, %dma_start3A_62] : memref<16x80x128xi32, #tpu.memory_space<hbm>> -> memref<1x16x128xi32, #tpu.memory_space<hbm>>
        %dma_start3A_64 = tpu.memref_squeeze %dma_start3A_63 : memref<1x16x128xi32, #tpu.memory_space<hbm>> -> memref<16x128xi32, #tpu.memory_space<hbm>>
        %dma_start3A_65 = arith.constant 0 : i32
        %dma_start3A_66 = tpu.memref_slice %arg3[%arg1, %mul3A_38, %dma_start3A_65] : memref<16x80x128xi32, #tpu.memory_space<hbm>> -> memref<1x16x128xi32, #tpu.memory_space<hbm>>
        %dma_start3A_67 = tpu.memref_squeeze %dma_start3A_66 : memref<1x16x128xi32, #tpu.memory_space<hbm>> -> memref<16x128xi32, #tpu.memory_space<hbm>>
        tpu.enqueue_dma source(%dma_start3A_67 : memref<16x128xi32, #tpu.memory_space<hbm>>) target(%arg6 : memref<16x128xi32, #tpu.memory_space<vmem>>) target_semaphore(%run_scoped3A : memref<!tpu.dma_semaphore, #tpu.memory_space<semaphore_mem>>)
        %dma_wait3A = arith.constant 0 : i32
        %dma_wait3A_68 = tpu.memref_slice %arg3[%arg1, %mul3A_38, %dma_wait3A] : memref<16x80x128xi32, #tpu.memory_space<hbm>> -> memref<1x16x128xi32, #tpu.memory_space<hbm>>
        %dma_wait3A_69 = tpu.memref_squeeze %dma_wait3A_68 : memref<1x16x128xi32, #tpu.memory_space<hbm>> -> memref<16x128xi32, #tpu.memory_space<hbm>>
        %dma_wait3A_70 = arith.constant 0 : i32
        %dma_wait3A_71 = tpu.memref_slice %arg3[%arg1, %mul3A_38, %dma_wait3A_70] : memref<16x80x128xi32, #tpu.memory_space<hbm>> -> memref<1x16x128xi32, #tpu.memory_space<hbm>>
        %dma_wait3A_72 = tpu.memref_squeeze %dma_wait3A_71 : memref<1x16x128xi32, #tpu.memory_space<hbm>> -> memref<16x128xi32, #tpu.memory_space<hbm>>
        tpu.wait_dma2 semaphore(%run_scoped3A : memref<!tpu.dma_semaphore, #tpu.memory_space<semaphore_mem>>) src(%dma_wait3A_72 : memref<16x128xi32, #tpu.memory_space<hbm>>) dst(%arg6 : memref<16x128xi32, #tpu.memory_space<vmem>>)
        tpu.yield
      }) : () -> ()
      %mul3A_39 = arith.constant 16 : i32
      %mul3A_40 = arith.muli %scan3A_36, %mul3A_39 : i32
      "tpu.region"() ({
        %run_scoped3A = tpu.sem_alloc : memref<!tpu.dma_semaphore, #tpu.memory_space<semaphore_mem>>
        %dma_start3A_62 = arith.constant 0 : i32
        %dma_start3A_63 = tpu.memref_slice %arg4[%arg1, %mul3A_40, %dma_start3A_62] : memref<16x80x128xi32, #tpu.memory_space<hbm>> -> memref<1x16x128xi32, #tpu.memory_space<hbm>>
        %dma_start3A_64 = tpu.memref_squeeze %dma_start3A_63 : memref<1x16x128xi32, #tpu.memory_space<hbm>> -> memref<16x128xi32, #tpu.memory_space<hbm>>
        %dma_start3A_65 = arith.constant 0 : i32
        %dma_start3A_66 = tpu.memref_slice %arg4[%arg1, %mul3A_40, %dma_start3A_65] : memref<16x80x128xi32, #tpu.memory_space<hbm>> -> memref<1x16x128xi32, #tpu.memory_space<hbm>>
        %dma_start3A_67 = tpu.memref_squeeze %dma_start3A_66 : memref<1x16x128xi32, #tpu.memory_space<hbm>> -> memref<16x128xi32, #tpu.memory_space<hbm>>
        tpu.enqueue_dma source(%dma_start3A_67 : memref<16x128xi32, #tpu.memory_space<hbm>>) target(%arg7 : memref<16x128xi32, #tpu.memory_space<vmem>>) target_semaphore(%run_scoped3A : memref<!tpu.dma_semaphore, #tpu.memory_space<semaphore_mem>>)
        %dma_wait3A = arith.constant 0 : i32
        %dma_wait3A_68 = tpu.memref_slice %arg4[%arg1, %mul3A_40, %dma_wait3A] : memref<16x80x128xi32, #tpu.memory_space<hbm>> -> memref<1x16x128xi32, #tpu.memory_space<hbm>>
        %dma_wait3A_69 = tpu.memref_squeeze %dma_wait3A_68 : memref<1x16x128xi32, #tpu.memory_space<hbm>> -> memref<16x128xi32, #tpu.memory_space<hbm>>
        %dma_wait3A_70 = arith.constant 0 : i32
        %dma_wait3A_71 = tpu.memref_slice %arg4[%arg1, %mul3A_40, %dma_wait3A_70] : memref<16x80x128xi32, #tpu.memory_space<hbm>> -> memref<1x16x128xi32, #tpu.memory_space<hbm>>
        %dma_wait3A_72 = tpu.memref_squeeze %dma_wait3A_71 : memref<1x16x128xi32, #tpu.memory_space<hbm>> -> memref<16x128xi32, #tpu.memory_space<hbm>>
        tpu.wait_dma2 semaphore(%run_scoped3A : memref<!tpu.dma_semaphore, #tpu.memory_space<semaphore_mem>>) src(%dma_wait3A_72 : memref<16x128xi32, #tpu.memory_space<hbm>>) dst(%arg7 : memref<16x128xi32, #tpu.memory_space<vmem>>)
        tpu.yield
      }) : () -> ()
      %dma_start3A = arith.constant 0 : i32
      %dma_start3A_41 = arith.constant 0 : i32
      %dma_start3A_42 = arith.constant 0 : i32
      %dma_start3A_43 = arith.constant 0 : i32
      %dma_start3A_44 = tpu.memref_slice %arg8[%dma_start3A_41, %dma_start3A_42, %dma_start3A_43] : memref<2x128x128xf32, #tpu.memory_space<vmem>> -> memref<1x128x128xf32, #tpu.memory_space<vmem>>
      %dma_start3A_45 = tpu.memref_squeeze %dma_start3A_44 : memref<1x128x128xf32, #tpu.memory_space<vmem>> -> memref<128x128xf32, #tpu.memory_space<vmem>>
      %dma_start3A_46 = arith.constant 0 : i32
      %dma_start3A_47 = tpu.memref_slice %arg6[%dma_start3A, %dma_start3A_46] : memref<16x128xi32, #tpu.memory_space<vmem>> -> memref<1x128xi32, #tpu.memory_space<vmem>>
      %dma_start3A_48 = tpu.memref_squeeze %dma_start3A_47 : memref<1x128xi32, #tpu.memory_space<vmem>> -> memref<128xi32, #tpu.memory_space<vmem>>
      %dma_start3A_49 = arith.constant 0 : i32
      %dma_start3A_50 = arith.constant 0 : i32
      %dma_start3A_51 = tpu.memref_slice %arg2[%add3A_19, %dma_start3A_49, %dma_start3A_50] : memref<4x10240x128xf32, #tpu.memory_space<hbm>> -> memref<1x10240x128xf32, #tpu.memory_space<hbm>>
      %dma_start3A_52 = tpu.memref_squeeze %dma_start3A_51 : memref<1x10240x128xf32, #tpu.memory_space<hbm>> -> memref<10240x128xf32, #tpu.memory_space<hbm>>
      %dma_start3A_53 = arith.constant 0 : i32
      %dma_start3A_54 = arith.constant 0 : i32
      %dma_start3A_55 = tpu.memref_slice %dma_start3A_52[%dma_start3A_53, %dma_start3A_54] : memref<10240x128xf32, #tpu.memory_space<hbm>> -> memref<10240x128xf32, #tpu.memory_space<hbm>>
      tpu.enqueue_indirect_dma source(%dma_start3A_55 : memref<10240x128xf32, #tpu.memory_space<hbm>>) target(%dma_start3A_45 : memref<128x128xf32, #tpu.memory_space<vmem>>) offsets(%dma_start3A_48 : memref<128xi32, #tpu.memory_space<vmem>>) semaphore(%arg10 : memref<!tpu.dma_semaphore, #tpu.memory_space<semaphore_mem>>)
      %scan3A_56 = arith.constant 0 : i32
      %scan3A_57 = arith.constant 0 : i32
      %scan3A_58 = arith.constant 16 : i32
      %scan3A_59 = arith.addi %scan3A_57, %scan3A_58 : i32
      %scan3A_60 = arith.constant 1 : i32
      scf.for %scan3A_62 = %scan3A_57 to %scan3A_59 step %scan3A_60  : i32 {
        %rem3A = arith.constant 2 : i32
        %rem3A_63 = arith.remsi %scan3A_62, %rem3A : i32
        %add3A_64 = arith.constant 1 : i32
        %add3A_65 = arith.addi %scan3A_62, %add3A_64 : i32
        %rem3A_66 = arith.constant 2 : i32
        %rem3A_67 = arith.remsi %add3A_65, %rem3A_66 : i32
        %add3A_68 = arith.constant 1 : i32
        %add3A_69 = arith.addi %scan3A_62, %add3A_68 : i32
        %lt3A = arith.constant 16 : i32
        %lt3A_70 = arith.cmpi slt, %add3A_69, %lt3A : i32
        %convert_element_type3A = arith.extui %lt3A_70 : i1 to i32
        %cond3A = arith.constant 0 : i32
        %cond3A_71 = arith.cmpi ne, %convert_element_type3A, %cond3A : i32
        scf.if %cond3A_71 {
          %add3A_85 = arith.constant 1 : i32
          %add3A_86 = arith.addi %scan3A_62, %add3A_85 : i32
          %dma_start3A_87 = arith.constant 0 : i32
          %dma_start3A_88 = arith.constant 0 : i32
          %dma_start3A_89 = tpu.memref_slice %arg8[%rem3A_67, %dma_start3A_87, %dma_start3A_88] : memref<2x128x128xf32, #tpu.memory_space<vmem>> -> memref<1x128x128xf32, #tpu.memory_space<vmem>>
          %dma_start3A_90 = tpu.memref_squeeze %dma_start3A_89 : memref<1x128x128xf32, #tpu.memory_space<vmem>> -> memref<128x128xf32, #tpu.memory_space<vmem>>
          %dma_start3A_91 = arith.constant 0 : i32
          %dma_start3A_92 = tpu.memref_slice %arg6[%add3A_86, %dma_start3A_91] : memref<16x128xi32, #tpu.memory_space<vmem>> -> memref<1x128xi32, #tpu.memory_space<vmem>>
          %dma_start3A_93 = tpu.memref_squeeze %dma_start3A_92 : memref<1x128xi32, #tpu.memory_space<vmem>> -> memref<128xi32, #tpu.memory_space<vmem>>
          %dma_start3A_94 = arith.constant 0 : i32
          %dma_start3A_95 = arith.constant 0 : i32
          %dma_start3A_96 = tpu.memref_slice %arg2[%add3A_19, %dma_start3A_94, %dma_start3A_95] : memref<4x10240x128xf32, #tpu.memory_space<hbm>> -> memref<1x10240x128xf32, #tpu.memory_space<hbm>>
          %dma_start3A_97 = tpu.memref_squeeze %dma_start3A_96 : memref<1x10240x128xf32, #tpu.memory_space<hbm>> -> memref<10240x128xf32, #tpu.memory_space<hbm>>
          %dma_start3A_98 = arith.constant 0 : i32
          %dma_start3A_99 = arith.constant 0 : i32
          %dma_start3A_100 = tpu.memref_slice %dma_start3A_97[%dma_start3A_98, %dma_start3A_99] : memref<10240x128xf32, #tpu.memory_space<hbm>> -> memref<10240x128xf32, #tpu.memory_space<hbm>>
          tpu.enqueue_indirect_dma source(%dma_start3A_100 : memref<10240x128xf32, #tpu.memory_space<hbm>>) target(%dma_start3A_90 : memref<128x128xf32, #tpu.memory_space<vmem>>) offsets(%dma_start3A_93 : memref<128xi32, #tpu.memory_space<vmem>>) semaphore(%arg10 : memref<!tpu.dma_semaphore, #tpu.memory_space<semaphore_mem>>)
        } else {
        }
        %dma_wait3A = arith.constant 0 : i32
        %dma_wait3A_72 = arith.constant 0 : i32
        %dma_wait3A_73 = tpu.memref_slice %arg8[%rem3A_63, %dma_wait3A, %dma_wait3A_72] : memref<2x128x128xf32, #tpu.memory_space<vmem>> -> memref<1x128x128xf32, #tpu.memory_space<vmem>>
        %dma_wait3A_74 = tpu.memref_squeeze %dma_wait3A_73 : memref<1x128x128xf32, #tpu.memory_space<vmem>> -> memref<128x128xf32, #tpu.memory_space<vmem>>
        %dma_wait3A_75 = arith.constant 0 : i32
        %dma_wait3A_76 = tpu.memref_slice %arg6[%scan3A_62, %dma_wait3A_75] : memref<16x128xi32, #tpu.memory_space<vmem>> -> memref<1x128xi32, #tpu.memory_space<vmem>>
        %dma_wait3A_77 = tpu.memref_squeeze %dma_wait3A_76 : memref<1x128xi32, #tpu.memory_space<vmem>> -> memref<128xi32, #tpu.memory_space<vmem>>
        %dma_wait3A_78 = arith.constant 0 : i32
        %dma_wait3A_79 = arith.constant 0 : i32
        %dma_wait3A_80 = tpu.memref_slice %arg2[%add3A_19, %dma_wait3A_78, %dma_wait3A_79] : memref<4x10240x128xf32, #tpu.memory_space<hbm>> -> memref<1x10240x128xf32, #tpu.memory_space<hbm>>
        %dma_wait3A_81 = tpu.memref_squeeze %dma_wait3A_80 : memref<1x10240x128xf32, #tpu.memory_space<hbm>> -> memref<10240x128xf32, #tpu.memory_space<hbm>>
        %dma_wait3A_82 = arith.constant 0 : i32
        %dma_wait3A_83 = arith.constant 0 : i32
        %dma_wait3A_84 = tpu.memref_slice %dma_wait3A_81[%dma_wait3A_82, %dma_wait3A_83] : memref<10240x128xf32, #tpu.memory_space<hbm>> -> memref<10240x128xf32, #tpu.memory_space<hbm>>
        tpu.wait_indirect_dma semaphore(%arg10 : memref<!tpu.dma_semaphore, #tpu.memory_space<semaphore_mem>>) src(%dma_wait3A_84 : memref<10240x128xf32, #tpu.memory_space<hbm>>) dst(%dma_wait3A_74 : memref<128x128xf32, #tpu.memory_space<vmem>>)
        "tpu.region"() ({
          %run_scoped3A = tpu.sem_alloc : memref<!tpu.dma_semaphore, #tpu.memory_space<semaphore_mem>>
          %dma_start3A_85 = arith.constant 0 : i32
          %dma_start3A_86 = arith.constant 0 : i32
          %dma_start3A_87 = tpu.memref_slice %arg8[%rem3A_63, %dma_start3A_85, %dma_start3A_86] : memref<2x128x128xf32, #tpu.memory_space<vmem>> -> memref<1x128x128xf32, #tpu.memory_space<vmem>>
          %dma_start3A_88 = tpu.memref_squeeze %dma_start3A_87 : memref<1x128x128xf32, #tpu.memory_space<vmem>> -> memref<128x128xf32, #tpu.memory_space<vmem>>
          %dma_start3A_89 = arith.constant 0 : i32
          %dma_start3A_90 = tpu.memref_slice %arg7[%scan3A_62, %dma_start3A_89] : memref<16x128xi32, #tpu.memory_space<vmem>> -> memref<1x128xi32, #tpu.memory_space<vmem>>
          %dma_start3A_91 = tpu.memref_squeeze %dma_start3A_90 : memref<1x128xi32, #tpu.memory_space<vmem>> -> memref<128xi32, #tpu.memory_space<vmem>>
          %dma_start3A_92 = arith.constant 0 : i32
          %dma_start3A_93 = arith.constant 0 : i32
          %dma_start3A_94 = tpu.memref_slice %arg9[%dma_start3A_92, %dma_start3A_93] : memref<10240x128xf32, #tpu.memory_space<vmem_shared>> -> memref<10240x128xf32, #tpu.memory_space<vmem_shared>>
          tpu.enqueue_indirect_dma source(%dma_start3A_88 : memref<128x128xf32, #tpu.memory_space<vmem>>) target(%dma_start3A_94 : memref<10240x128xf32, #tpu.memory_space<vmem_shared>>) offsets(%dma_start3A_91 : memref<128xi32, #tpu.memory_space<vmem>>) semaphore(%run_scoped3A : memref<!tpu.dma_semaphore, #tpu.memory_space<semaphore_mem>>) {add = true}
          %dma_wait3A_95 = arith.constant 0 : i32
          %dma_wait3A_96 = arith.constant 0 : i32
          %dma_wait3A_97 = tpu.memref_slice %arg8[%rem3A_63, %dma_wait3A_95, %dma_wait3A_96] : memref<2x128x128xf32, #tpu.memory_space<vmem>> -> memref<1x128x128xf32, #tpu.memory_space<vmem>>
          %dma_wait3A_98 = tpu.memref_squeeze %dma_wait3A_97 : memref<1x128x128xf32, #tpu.memory_space<vmem>> -> memref<128x128xf32, #tpu.memory_space<vmem>>
          %dma_wait3A_99 = arith.constant 0 : i32
          %dma_wait3A_100 = tpu.memref_slice %arg7[%scan3A_62, %dma_wait3A_99] : memref<16x128xi32, #tpu.memory_space<vmem>> -> memref<1x128xi32, #tpu.memory_space<vmem>>
          %dma_wait3A_101 = tpu.memref_squeeze %dma_wait3A_100 : memref<1x128xi32, #tpu.memory_space<vmem>> -> memref<128xi32, #tpu.memory_space<vmem>>
          %dma_wait3A_102 = arith.constant 0 : i32
          %dma_wait3A_103 = arith.constant 0 : i32
          %dma_wait3A_104 = tpu.memref_slice %arg9[%dma_wait3A_102, %dma_wait3A_103] : memref<10240x128xf32, #tpu.memory_space<vmem_shared>> -> memref<10240x128xf32, #tpu.memory_space<vmem_shared>>
          tpu.wait_indirect_dma semaphore(%run_scoped3A : memref<!tpu.dma_semaphore, #tpu.memory_space<semaphore_mem>>) src(%dma_wait3A_98 : memref<128x128xf32, #tpu.memory_space<vmem>>) dst(%dma_wait3A_104 : memref<10240x128xf32, #tpu.memory_space<vmem_shared>>)
          tpu.yield
        }) : () -> ()
      }
      %scan3A_61 = arith.constant 16 : i32
    }
    %scan3A_30 = arith.constant 5 : i32
    %barrier3A_31 = arith.constant 0 : index
    tpu.barrier barrier_id(%barrier3A_31)
    %mul3A_32 = arith.constant 640 : i32
    %mul3A_33 = arith.muli %arg1, %mul3A_32 : i32
    %mul3A_34 = arith.constant 640 : i32
    %mul3A_35 = arith.muli %arg1, %mul3A_34 : i32
    "tpu.region"() ({
      %run_scoped3A = tpu.sem_alloc : memref<!tpu.dma_semaphore, #tpu.memory_space<semaphore_mem>>
      %dma_start3A = arith.constant 0 : i32
      %dma_start3A_36 = tpu.memref_slice %arg5[%add3A_19, %mul3A_35, %dma_start3A] : memref<4x10240x128xf32, #tpu.memory_space<hbm>> -> memref<1x640x128xf32, #tpu.memory_space<hbm>>
      %dma_start3A_37 = tpu.memref_squeeze %dma_start3A_36 : memref<1x640x128xf32, #tpu.memory_space<hbm>> -> memref<640x128xf32, #tpu.memory_space<hbm>>
      %dma_start3A_38 = arith.constant 0 : i32
      %dma_start3A_39 = tpu.memref_slice %arg9[%mul3A_33, %dma_start3A_38] : memref<10240x128xf32, #tpu.memory_space<vmem_shared>> -> memref<640x128xf32, #tpu.memory_space<vmem_shared>>
      tpu.enqueue_dma source(%dma_start3A_39 : memref<640x128xf32, #tpu.memory_space<vmem_shared>>) target(%dma_start3A_37 : memref<640x128xf32, #tpu.memory_space<hbm>>) target_semaphore(%run_scoped3A : memref<!tpu.dma_semaphore, #tpu.memory_space<semaphore_mem>>)
      %dma_wait3A = arith.constant 0 : i32
      %dma_wait3A_40 = tpu.memref_slice %arg5[%add3A_19, %mul3A_35, %dma_wait3A] : memref<4x10240x128xf32, #tpu.memory_space<hbm>> -> memref<1x640x128xf32, #tpu.memory_space<hbm>>
      %dma_wait3A_41 = tpu.memref_squeeze %dma_wait3A_40 : memref<1x640x128xf32, #tpu.memory_space<hbm>> -> memref<640x128xf32, #tpu.memory_space<hbm>>
      %dma_wait3A_42 = arith.constant 0 : i32
      %dma_wait3A_43 = tpu.memref_slice %arg9[%mul3A_33, %dma_wait3A_42] : memref<10240x128xf32, #tpu.memory_space<vmem_shared>> -> memref<640x128xf32, #tpu.memory_space<vmem_shared>>
      tpu.wait_dma2 semaphore(%run_scoped3A : memref<!tpu.dma_semaphore, #tpu.memory_space<semaphore_mem>>) src(%dma_wait3A_43 : memref<640x128xf32, #tpu.memory_space<vmem_shared>>) dst(%dma_wait3A_41 : memref<640x128xf32, #tpu.memory_space<hbm>>)
      tpu.yield
    }) : () -> ()
    return
  }
}

#map = affine_map<(d0, d1) -> (0, 0, 0)>
module attributes {stable_mosaic.version = 14 : i64} {
  func.func @_sc_agg(%arg0: i32, %arg1: i32, %arg2: memref<4x10240x128xf32, #tpu.memory_space<hbm>>, %arg3: memref<16x80x128xi32, #tpu.memory_space<hbm>>, %arg4: memref<16x80x128xi32, #tpu.memory_space<hbm>>, %arg5: memref<4x10240x128xf32, #tpu.memory_space<hbm>>, %arg6: memref<16x128xi32, #tpu.memory_space<vmem>>, %arg7: memref<16x128xi32, #tpu.memory_space<vmem>>, %arg8: memref<2x128x128xf32, #tpu.memory_space<vmem>>, %arg9: memref<10240x128xf32, #tpu.memory_space<vmem_shared>>, %arg10: memref<!tpu.dma_semaphore, #tpu.memory_space<semaphore_mem>>) attributes {dimension_semantics = [#tpu.dimension_semantics<core_parallel>, #tpu.dimension_semantics<subcore_parallel>], iteration_bounds = array<i64: 2, 16>, scalar_prefetch = 0 : i64, scratch_operands = 5 : i64, tpu.core_type = #tpu.core_type<sc_vector_subcore>, window_params = [{transform_indices = #map}, {transform_indices = #map}, {transform_indices = #map}, {transform_indices = #map}]} {
    %mul3A = arith.constant 2 : i32
    %mul3A_0 = arith.muli %arg0, %mul3A : i32
    %add3A = arith.constant 0 : i32
    %add3A_1 = arith.addi %mul3A_0, %add3A : i32
    %mul3A_2 = arith.constant 640 : i32
    %mul3A_3 = arith.muli %arg1, %mul3A_2 : i32
    %mul3A_4 = arith.constant 640 : i32
    %mul3A_5 = arith.muli %arg1, %mul3A_4 : i32
    "tpu.region"() ({
      %run_scoped3A = tpu.sem_alloc : memref<!tpu.dma_semaphore, #tpu.memory_space<semaphore_mem>>
      %dma_start3A = arith.constant 0 : i32
      %dma_start3A_36 = tpu.memref_slice %arg9[%mul3A_5, %dma_start3A] : memref<10240x128xf32, #tpu.memory_space<vmem_shared>> -> memref<640x128xf32, #tpu.memory_space<vmem_shared>>
      %dma_start3A_37 = arith.constant 0 : i32
      %dma_start3A_38 = tpu.memref_slice %arg2[%add3A_1, %mul3A_3, %dma_start3A_37] : memref<4x10240x128xf32, #tpu.memory_space<hbm>> -> memref<1x640x128xf32, #tpu.memory_space<hbm>>
      %dma_start3A_39 = tpu.memref_squeeze %dma_start3A_38 : memref<1x640x128xf32, #tpu.memory_space<hbm>> -> memref<640x128xf32, #tpu.memory_space<hbm>>
      tpu.enqueue_dma source(%dma_start3A_39 : memref<640x128xf32, #tpu.memory_space<hbm>>) target(%dma_start3A_36 : memref<640x128xf32, #tpu.memory_space<vmem_shared>>) target_semaphore(%run_scoped3A : memref<!tpu.dma_semaphore, #tpu.memory_space<semaphore_mem>>)
      %dma_wait3A = arith.constant 0 : i32
      %dma_wait3A_40 = tpu.memref_slice %arg9[%mul3A_5, %dma_wait3A] : memref<10240x128xf32, #tpu.memory_space<vmem_shared>> -> memref<640x128xf32, #tpu.memory_space<vmem_shared>>
      %dma_wait3A_41 = arith.constant 0 : i32
      %dma_wait3A_42 = tpu.memref_slice %arg2[%add3A_1, %mul3A_3, %dma_wait3A_41] : memref<4x10240x128xf32, #tpu.memory_space<hbm>> -> memref<1x640x128xf32, #tpu.memory_space<hbm>>
      %dma_wait3A_43 = tpu.memref_squeeze %dma_wait3A_42 : memref<1x640x128xf32, #tpu.memory_space<hbm>> -> memref<640x128xf32, #tpu.memory_space<hbm>>
      tpu.wait_dma2 semaphore(%run_scoped3A : memref<!tpu.dma_semaphore, #tpu.memory_space<semaphore_mem>>) src(%dma_wait3A_43 : memref<640x128xf32, #tpu.memory_space<hbm>>) dst(%dma_wait3A_40 : memref<640x128xf32, #tpu.memory_space<vmem_shared>>)
      tpu.yield
    }) : () -> ()
    %barrier3A = arith.constant 0 : index
    tpu.barrier barrier_id(%barrier3A)
    %scan3A = arith.constant 0 : i32
    %scan3A_6 = arith.constant 0 : i32
    %scan3A_7 = arith.constant 5 : i32
    %scan3A_8 = arith.addi %scan3A_6, %scan3A_7 : i32
    %scan3A_9 = arith.constant 1 : i32
    scf.for %scan3A_36 = %scan3A_6 to %scan3A_8 step %scan3A_9  : i32 {
      %mul3A_37 = arith.constant 16 : i32
      %mul3A_38 = arith.muli %scan3A_36, %mul3A_37 : i32
      "tpu.region"() ({
        %run_scoped3A = tpu.sem_alloc : memref<!tpu.dma_semaphore, #tpu.memory_space<semaphore_mem>>
        %dma_start3A_62 = arith.constant 0 : i32
        %dma_start3A_63 = tpu.memref_slice %arg3[%arg1, %mul3A_38, %dma_start3A_62] : memref<16x80x128xi32, #tpu.memory_space<hbm>> -> memref<1x16x128xi32, #tpu.memory_space<hbm>>
        %dma_start3A_64 = tpu.memref_squeeze %dma_start3A_63 : memref<1x16x128xi32, #tpu.memory_space<hbm>> -> memref<16x128xi32, #tpu.memory_space<hbm>>
        %dma_start3A_65 = arith.constant 0 : i32
        %dma_start3A_66 = tpu.memref_slice %arg3[%arg1, %mul3A_38, %dma_start3A_65] : memref<16x80x128xi32, #tpu.memory_space<hbm>> -> memref<1x16x128xi32, #tpu.memory_space<hbm>>
        %dma_start3A_67 = tpu.memref_squeeze %dma_start3A_66 : memref<1x16x128xi32, #tpu.memory_space<hbm>> -> memref<16x128xi32, #tpu.memory_space<hbm>>
        tpu.enqueue_dma source(%dma_start3A_67 : memref<16x128xi32, #tpu.memory_space<hbm>>) target(%arg6 : memref<16x128xi32, #tpu.memory_space<vmem>>) target_semaphore(%run_scoped3A : memref<!tpu.dma_semaphore, #tpu.memory_space<semaphore_mem>>)
        %dma_wait3A = arith.constant 0 : i32
        %dma_wait3A_68 = tpu.memref_slice %arg3[%arg1, %mul3A_38, %dma_wait3A] : memref<16x80x128xi32, #tpu.memory_space<hbm>> -> memref<1x16x128xi32, #tpu.memory_space<hbm>>
        %dma_wait3A_69 = tpu.memref_squeeze %dma_wait3A_68 : memref<1x16x128xi32, #tpu.memory_space<hbm>> -> memref<16x128xi32, #tpu.memory_space<hbm>>
        %dma_wait3A_70 = arith.constant 0 : i32
        %dma_wait3A_71 = tpu.memref_slice %arg3[%arg1, %mul3A_38, %dma_wait3A_70] : memref<16x80x128xi32, #tpu.memory_space<hbm>> -> memref<1x16x128xi32, #tpu.memory_space<hbm>>
        %dma_wait3A_72 = tpu.memref_squeeze %dma_wait3A_71 : memref<1x16x128xi32, #tpu.memory_space<hbm>> -> memref<16x128xi32, #tpu.memory_space<hbm>>
        tpu.wait_dma2 semaphore(%run_scoped3A : memref<!tpu.dma_semaphore, #tpu.memory_space<semaphore_mem>>) src(%dma_wait3A_72 : memref<16x128xi32, #tpu.memory_space<hbm>>) dst(%arg6 : memref<16x128xi32, #tpu.memory_space<vmem>>)
        tpu.yield
      }) : () -> ()
      %mul3A_39 = arith.constant 16 : i32
      %mul3A_40 = arith.muli %scan3A_36, %mul3A_39 : i32
      "tpu.region"() ({
        %run_scoped3A = tpu.sem_alloc : memref<!tpu.dma_semaphore, #tpu.memory_space<semaphore_mem>>
        %dma_start3A_62 = arith.constant 0 : i32
        %dma_start3A_63 = tpu.memref_slice %arg4[%arg1, %mul3A_40, %dma_start3A_62] : memref<16x80x128xi32, #tpu.memory_space<hbm>> -> memref<1x16x128xi32, #tpu.memory_space<hbm>>
        %dma_start3A_64 = tpu.memref_squeeze %dma_start3A_63 : memref<1x16x128xi32, #tpu.memory_space<hbm>> -> memref<16x128xi32, #tpu.memory_space<hbm>>
        %dma_start3A_65 = arith.constant 0 : i32
        %dma_start3A_66 = tpu.memref_slice %arg4[%arg1, %mul3A_40, %dma_start3A_65] : memref<16x80x128xi32, #tpu.memory_space<hbm>> -> memref<1x16x128xi32, #tpu.memory_space<hbm>>
        %dma_start3A_67 = tpu.memref_squeeze %dma_start3A_66 : memref<1x16x128xi32, #tpu.memory_space<hbm>> -> memref<16x128xi32, #tpu.memory_space<hbm>>
        tpu.enqueue_dma source(%dma_start3A_67 : memref<16x128xi32, #tpu.memory_space<hbm>>) target(%arg7 : memref<16x128xi32, #tpu.memory_space<vmem>>) target_semaphore(%run_scoped3A : memref<!tpu.dma_semaphore, #tpu.memory_space<semaphore_mem>>)
        %dma_wait3A = arith.constant 0 : i32
        %dma_wait3A_68 = tpu.memref_slice %arg4[%arg1, %mul3A_40, %dma_wait3A] : memref<16x80x128xi32, #tpu.memory_space<hbm>> -> memref<1x16x128xi32, #tpu.memory_space<hbm>>
        %dma_wait3A_69 = tpu.memref_squeeze %dma_wait3A_68 : memref<1x16x128xi32, #tpu.memory_space<hbm>> -> memref<16x128xi32, #tpu.memory_space<hbm>>
        %dma_wait3A_70 = arith.constant 0 : i32
        %dma_wait3A_71 = tpu.memref_slice %arg4[%arg1, %mul3A_40, %dma_wait3A_70] : memref<16x80x128xi32, #tpu.memory_space<hbm>> -> memref<1x16x128xi32, #tpu.memory_space<hbm>>
        %dma_wait3A_72 = tpu.memref_squeeze %dma_wait3A_71 : memref<1x16x128xi32, #tpu.memory_space<hbm>> -> memref<16x128xi32, #tpu.memory_space<hbm>>
        tpu.wait_dma2 semaphore(%run_scoped3A : memref<!tpu.dma_semaphore, #tpu.memory_space<semaphore_mem>>) src(%dma_wait3A_72 : memref<16x128xi32, #tpu.memory_space<hbm>>) dst(%arg7 : memref<16x128xi32, #tpu.memory_space<vmem>>)
        tpu.yield
      }) : () -> ()
      %dma_start3A = arith.constant 0 : i32
      %dma_start3A_41 = arith.constant 0 : i32
      %dma_start3A_42 = arith.constant 0 : i32
      %dma_start3A_43 = arith.constant 0 : i32
      %dma_start3A_44 = tpu.memref_slice %arg8[%dma_start3A_41, %dma_start3A_42, %dma_start3A_43] : memref<2x128x128xf32, #tpu.memory_space<vmem>> -> memref<1x128x128xf32, #tpu.memory_space<vmem>>
      %dma_start3A_45 = tpu.memref_squeeze %dma_start3A_44 : memref<1x128x128xf32, #tpu.memory_space<vmem>> -> memref<128x128xf32, #tpu.memory_space<vmem>>
      %dma_start3A_46 = arith.constant 0 : i32
      %dma_start3A_47 = tpu.memref_slice %arg6[%dma_start3A, %dma_start3A_46] : memref<16x128xi32, #tpu.memory_space<vmem>> -> memref<1x128xi32, #tpu.memory_space<vmem>>
      %dma_start3A_48 = tpu.memref_squeeze %dma_start3A_47 : memref<1x128xi32, #tpu.memory_space<vmem>> -> memref<128xi32, #tpu.memory_space<vmem>>
      %dma_start3A_49 = arith.constant 0 : i32
      %dma_start3A_50 = arith.constant 0 : i32
      %dma_start3A_51 = tpu.memref_slice %arg2[%add3A_1, %dma_start3A_49, %dma_start3A_50] : memref<4x10240x128xf32, #tpu.memory_space<hbm>> -> memref<1x10240x128xf32, #tpu.memory_space<hbm>>
      %dma_start3A_52 = tpu.memref_squeeze %dma_start3A_51 : memref<1x10240x128xf32, #tpu.memory_space<hbm>> -> memref<10240x128xf32, #tpu.memory_space<hbm>>
      %dma_start3A_53 = arith.constant 0 : i32
      %dma_start3A_54 = arith.constant 0 : i32
      %dma_start3A_55 = tpu.memref_slice %dma_start3A_52[%dma_start3A_53, %dma_start3A_54] : memref<10240x128xf32, #tpu.memory_space<hbm>> -> memref<10240x128xf32, #tpu.memory_space<hbm>>
      tpu.enqueue_indirect_dma source(%dma_start3A_55 : memref<10240x128xf32, #tpu.memory_space<hbm>>) target(%dma_start3A_45 : memref<128x128xf32, #tpu.memory_space<vmem>>) offsets(%dma_start3A_48 : memref<128xi32, #tpu.memory_space<vmem>>) semaphore(%arg10 : memref<!tpu.dma_semaphore, #tpu.memory_space<semaphore_mem>>)
      %scan3A_56 = arith.constant 0 : i32
      %scan3A_57 = arith.constant 0 : i32
      %scan3A_58 = arith.constant 16 : i32
      %scan3A_59 = arith.addi %scan3A_57, %scan3A_58 : i32
      %scan3A_60 = arith.constant 1 : i32
      scf.for %scan3A_62 = %scan3A_57 to %scan3A_59 step %scan3A_60  : i32 {
        %rem3A = arith.constant 2 : i32
        %rem3A_63 = arith.remsi %scan3A_62, %rem3A : i32
        %add3A_64 = arith.constant 1 : i32
        %add3A_65 = arith.addi %scan3A_62, %add3A_64 : i32
        %rem3A_66 = arith.constant 2 : i32
        %rem3A_67 = arith.remsi %add3A_65, %rem3A_66 : i32
        %add3A_68 = arith.constant 1 : i32
        %add3A_69 = arith.addi %scan3A_62, %add3A_68 : i32
        %lt3A = arith.constant 16 : i32
        %lt3A_70 = arith.cmpi slt, %add3A_69, %lt3A : i32
        %convert_element_type3A = arith.extui %lt3A_70 : i1 to i32
        %cond3A = arith.constant 0 : i32
        %cond3A_71 = arith.cmpi ne, %convert_element_type3A, %cond3A : i32
        scf.if %cond3A_71 {
          %add3A_85 = arith.constant 1 : i32
          %add3A_86 = arith.addi %scan3A_62, %add3A_85 : i32
          %dma_start3A_87 = arith.constant 0 : i32
          %dma_start3A_88 = arith.constant 0 : i32
          %dma_start3A_89 = tpu.memref_slice %arg8[%rem3A_67, %dma_start3A_87, %dma_start3A_88] : memref<2x128x128xf32, #tpu.memory_space<vmem>> -> memref<1x128x128xf32, #tpu.memory_space<vmem>>
          %dma_start3A_90 = tpu.memref_squeeze %dma_start3A_89 : memref<1x128x128xf32, #tpu.memory_space<vmem>> -> memref<128x128xf32, #tpu.memory_space<vmem>>
          %dma_start3A_91 = arith.constant 0 : i32
          %dma_start3A_92 = tpu.memref_slice %arg6[%add3A_86, %dma_start3A_91] : memref<16x128xi32, #tpu.memory_space<vmem>> -> memref<1x128xi32, #tpu.memory_space<vmem>>
          %dma_start3A_93 = tpu.memref_squeeze %dma_start3A_92 : memref<1x128xi32, #tpu.memory_space<vmem>> -> memref<128xi32, #tpu.memory_space<vmem>>
          %dma_start3A_94 = arith.constant 0 : i32
          %dma_start3A_95 = arith.constant 0 : i32
          %dma_start3A_96 = tpu.memref_slice %arg2[%add3A_1, %dma_start3A_94, %dma_start3A_95] : memref<4x10240x128xf32, #tpu.memory_space<hbm>> -> memref<1x10240x128xf32, #tpu.memory_space<hbm>>
          %dma_start3A_97 = tpu.memref_squeeze %dma_start3A_96 : memref<1x10240x128xf32, #tpu.memory_space<hbm>> -> memref<10240x128xf32, #tpu.memory_space<hbm>>
          %dma_start3A_98 = arith.constant 0 : i32
          %dma_start3A_99 = arith.constant 0 : i32
          %dma_start3A_100 = tpu.memref_slice %dma_start3A_97[%dma_start3A_98, %dma_start3A_99] : memref<10240x128xf32, #tpu.memory_space<hbm>> -> memref<10240x128xf32, #tpu.memory_space<hbm>>
          tpu.enqueue_indirect_dma source(%dma_start3A_100 : memref<10240x128xf32, #tpu.memory_space<hbm>>) target(%dma_start3A_90 : memref<128x128xf32, #tpu.memory_space<vmem>>) offsets(%dma_start3A_93 : memref<128xi32, #tpu.memory_space<vmem>>) semaphore(%arg10 : memref<!tpu.dma_semaphore, #tpu.memory_space<semaphore_mem>>)
        } else {
        }
        %dma_wait3A = arith.constant 0 : i32
        %dma_wait3A_72 = arith.constant 0 : i32
        %dma_wait3A_73 = tpu.memref_slice %arg8[%rem3A_63, %dma_wait3A, %dma_wait3A_72] : memref<2x128x128xf32, #tpu.memory_space<vmem>> -> memref<1x128x128xf32, #tpu.memory_space<vmem>>
        %dma_wait3A_74 = tpu.memref_squeeze %dma_wait3A_73 : memref<1x128x128xf32, #tpu.memory_space<vmem>> -> memref<128x128xf32, #tpu.memory_space<vmem>>
        %dma_wait3A_75 = arith.constant 0 : i32
        %dma_wait3A_76 = tpu.memref_slice %arg6[%scan3A_62, %dma_wait3A_75] : memref<16x128xi32, #tpu.memory_space<vmem>> -> memref<1x128xi32, #tpu.memory_space<vmem>>
        %dma_wait3A_77 = tpu.memref_squeeze %dma_wait3A_76 : memref<1x128xi32, #tpu.memory_space<vmem>> -> memref<128xi32, #tpu.memory_space<vmem>>
        %dma_wait3A_78 = arith.constant 0 : i32
        %dma_wait3A_79 = arith.constant 0 : i32
        %dma_wait3A_80 = tpu.memref_slice %arg2[%add3A_1, %dma_wait3A_78, %dma_wait3A_79] : memref<4x10240x128xf32, #tpu.memory_space<hbm>> -> memref<1x10240x128xf32, #tpu.memory_space<hbm>>
        %dma_wait3A_81 = tpu.memref_squeeze %dma_wait3A_80 : memref<1x10240x128xf32, #tpu.memory_space<hbm>> -> memref<10240x128xf32, #tpu.memory_space<hbm>>
        %dma_wait3A_82 = arith.constant 0 : i32
        %dma_wait3A_83 = arith.constant 0 : i32
        %dma_wait3A_84 = tpu.memref_slice %dma_wait3A_81[%dma_wait3A_82, %dma_wait3A_83] : memref<10240x128xf32, #tpu.memory_space<hbm>> -> memref<10240x128xf32, #tpu.memory_space<hbm>>
        tpu.wait_indirect_dma semaphore(%arg10 : memref<!tpu.dma_semaphore, #tpu.memory_space<semaphore_mem>>) src(%dma_wait3A_84 : memref<10240x128xf32, #tpu.memory_space<hbm>>) dst(%dma_wait3A_74 : memref<128x128xf32, #tpu.memory_space<vmem>>)
        "tpu.region"() ({
          %run_scoped3A = tpu.sem_alloc : memref<!tpu.dma_semaphore, #tpu.memory_space<semaphore_mem>>
          %dma_start3A_85 = arith.constant 0 : i32
          %dma_start3A_86 = arith.constant 0 : i32
          %dma_start3A_87 = tpu.memref_slice %arg8[%rem3A_63, %dma_start3A_85, %dma_start3A_86] : memref<2x128x128xf32, #tpu.memory_space<vmem>> -> memref<1x128x128xf32, #tpu.memory_space<vmem>>
          %dma_start3A_88 = tpu.memref_squeeze %dma_start3A_87 : memref<1x128x128xf32, #tpu.memory_space<vmem>> -> memref<128x128xf32, #tpu.memory_space<vmem>>
          %dma_start3A_89 = arith.constant 0 : i32
          %dma_start3A_90 = tpu.memref_slice %arg7[%scan3A_62, %dma_start3A_89] : memref<16x128xi32, #tpu.memory_space<vmem>> -> memref<1x128xi32, #tpu.memory_space<vmem>>
          %dma_start3A_91 = tpu.memref_squeeze %dma_start3A_90 : memref<1x128xi32, #tpu.memory_space<vmem>> -> memref<128xi32, #tpu.memory_space<vmem>>
          %dma_start3A_92 = arith.constant 0 : i32
          %dma_start3A_93 = arith.constant 0 : i32
          %dma_start3A_94 = tpu.memref_slice %arg9[%dma_start3A_92, %dma_start3A_93] : memref<10240x128xf32, #tpu.memory_space<vmem_shared>> -> memref<10240x128xf32, #tpu.memory_space<vmem_shared>>
          tpu.enqueue_indirect_dma source(%dma_start3A_88 : memref<128x128xf32, #tpu.memory_space<vmem>>) target(%dma_start3A_94 : memref<10240x128xf32, #tpu.memory_space<vmem_shared>>) offsets(%dma_start3A_91 : memref<128xi32, #tpu.memory_space<vmem>>) semaphore(%run_scoped3A : memref<!tpu.dma_semaphore, #tpu.memory_space<semaphore_mem>>) {add = true}
          %dma_wait3A_95 = arith.constant 0 : i32
          %dma_wait3A_96 = arith.constant 0 : i32
          %dma_wait3A_97 = tpu.memref_slice %arg8[%rem3A_63, %dma_wait3A_95, %dma_wait3A_96] : memref<2x128x128xf32, #tpu.memory_space<vmem>> -> memref<1x128x128xf32, #tpu.memory_space<vmem>>
          %dma_wait3A_98 = tpu.memref_squeeze %dma_wait3A_97 : memref<1x128x128xf32, #tpu.memory_space<vmem>> -> memref<128x128xf32, #tpu.memory_space<vmem>>
          %dma_wait3A_99 = arith.constant 0 : i32
          %dma_wait3A_100 = tpu.memref_slice %arg7[%scan3A_62, %dma_wait3A_99] : memref<16x128xi32, #tpu.memory_space<vmem>> -> memref<1x128xi32, #tpu.memory_space<vmem>>
          %dma_wait3A_101 = tpu.memref_squeeze %dma_wait3A_100 : memref<1x128xi32, #tpu.memory_space<vmem>> -> memref<128xi32, #tpu.memory_space<vmem>>
          %dma_wait3A_102 = arith.constant 0 : i32
          %dma_wait3A_103 = arith.constant 0 : i32
          %dma_wait3A_104 = tpu.memref_slice %arg9[%dma_wait3A_102, %dma_wait3A_103] : memref<10240x128xf32, #tpu.memory_space<vmem_shared>> -> memref<10240x128xf32, #tpu.memory_space<vmem_shared>>
          tpu.wait_indirect_dma semaphore(%run_scoped3A : memref<!tpu.dma_semaphore, #tpu.memory_space<semaphore_mem>>) src(%dma_wait3A_98 : memref<128x128xf32, #tpu.memory_space<vmem>>) dst(%dma_wait3A_104 : memref<10240x128xf32, #tpu.memory_space<vmem_shared>>)
          tpu.yield
        }) : () -> ()
      }
      %scan3A_61 = arith.constant 16 : i32
    }
    %scan3A_10 = arith.constant 5 : i32
    %barrier3A_11 = arith.constant 0 : index
    tpu.barrier barrier_id(%barrier3A_11)
    %mul3A_12 = arith.constant 640 : i32
    %mul3A_13 = arith.muli %arg1, %mul3A_12 : i32
    %mul3A_14 = arith.constant 640 : i32
    %mul3A_15 = arith.muli %arg1, %mul3A_14 : i32
    "tpu.region"() ({
      %run_scoped3A = tpu.sem_alloc : memref<!tpu.dma_semaphore, #tpu.memory_space<semaphore_mem>>
      %dma_start3A = arith.constant 0 : i32
      %dma_start3A_36 = tpu.memref_slice %arg5[%add3A_1, %mul3A_15, %dma_start3A] : memref<4x10240x128xf32, #tpu.memory_space<hbm>> -> memref<1x640x128xf32, #tpu.memory_space<hbm>>
      %dma_start3A_37 = tpu.memref_squeeze %dma_start3A_36 : memref<1x640x128xf32, #tpu.memory_space<hbm>> -> memref<640x128xf32, #tpu.memory_space<hbm>>
      %dma_start3A_38 = arith.constant 0 : i32
      %dma_start3A_39 = tpu.memref_slice %arg9[%mul3A_13, %dma_start3A_38] : memref<10240x128xf32, #tpu.memory_space<vmem_shared>> -> memref<640x128xf32, #tpu.memory_space<vmem_shared>>
      tpu.enqueue_dma source(%dma_start3A_39 : memref<640x128xf32, #tpu.memory_space<vmem_shared>>) target(%dma_start3A_37 : memref<640x128xf32, #tpu.memory_space<hbm>>) target_semaphore(%run_scoped3A : memref<!tpu.dma_semaphore, #tpu.memory_space<semaphore_mem>>)
      %dma_wait3A = arith.constant 0 : i32
      %dma_wait3A_40 = tpu.memref_slice %arg5[%add3A_1, %mul3A_15, %dma_wait3A] : memref<4x10240x128xf32, #tpu.memory_space<hbm>> -> memref<1x640x128xf32, #tpu.memory_space<hbm>>
      %dma_wait3A_41 = tpu.memref_squeeze %dma_wait3A_40 : memref<1x640x128xf32, #tpu.memory_space<hbm>> -> memref<640x128xf32, #tpu.memory_space<hbm>>
      %dma_wait3A_42 = arith.constant 0 : i32
      %dma_wait3A_43 = tpu.memref_slice %arg9[%mul3A_13, %dma_wait3A_42] : memref<10240x128xf32, #tpu.memory_space<vmem_shared>> -> memref<640x128xf32, #tpu.memory_space<vmem_shared>>
      tpu.wait_dma2 semaphore(%run_scoped3A : memref<!tpu.dma_semaphore, #tpu.memory_space<semaphore_mem>>) src(%dma_wait3A_43 : memref<640x128xf32, #tpu.memory_space<vmem_shared>>) dst(%dma_wait3A_41 : memref<640x128xf32, #tpu.memory_space<hbm>>)
      tpu.yield
    }) : () -> ()
    %mul3A_16 = arith.constant 2 : i32
    %mul3A_17 = arith.muli %arg0, %mul3A_16 : i32
    %add3A_18 = arith.constant 1 : i32
    %add3A_19 = arith.addi %mul3A_17, %add3A_18 : i32
    %mul3A_20 = arith.constant 640 : i32
    %mul3A_21 = arith.muli %arg1, %mul3A_20 : i32
    %mul3A_22 = arith.constant 640 : i32
    %mul3A_23 = arith.muli %arg1, %mul3A_22 : i32
    "tpu.region"() ({
      %run_scoped3A = tpu.sem_alloc : memref<!tpu.dma_semaphore, #tpu.memory_space<semaphore_mem>>
      %dma_start3A = arith.constant 0 : i32
      %dma_start3A_36 = tpu.memref_slice %arg9[%mul3A_23, %dma_start3A] : memref<10240x128xf32, #tpu.memory_space<vmem_shared>> -> memref<640x128xf32, #tpu.memory_space<vmem_shared>>
      %dma_start3A_37 = arith.constant 0 : i32
      %dma_start3A_38 = tpu.memref_slice %arg2[%add3A_19, %mul3A_21, %dma_start3A_37] : memref<4x10240x128xf32, #tpu.memory_space<hbm>> -> memref<1x640x128xf32, #tpu.memory_space<hbm>>
      %dma_start3A_39 = tpu.memref_squeeze %dma_start3A_38 : memref<1x640x128xf32, #tpu.memory_space<hbm>> -> memref<640x128xf32, #tpu.memory_space<hbm>>
      tpu.enqueue_dma source(%dma_start3A_39 : memref<640x128xf32, #tpu.memory_space<hbm>>) target(%dma_start3A_36 : memref<640x128xf32, #tpu.memory_space<vmem_shared>>) target_semaphore(%run_scoped3A : memref<!tpu.dma_semaphore, #tpu.memory_space<semaphore_mem>>)
      %dma_wait3A = arith.constant 0 : i32
      %dma_wait3A_40 = tpu.memref_slice %arg9[%mul3A_23, %dma_wait3A] : memref<10240x128xf32, #tpu.memory_space<vmem_shared>> -> memref<640x128xf32, #tpu.memory_space<vmem_shared>>
      %dma_wait3A_41 = arith.constant 0 : i32
      %dma_wait3A_42 = tpu.memref_slice %arg2[%add3A_19, %mul3A_21, %dma_wait3A_41] : memref<4x10240x128xf32, #tpu.memory_space<hbm>> -> memref<1x640x128xf32, #tpu.memory_space<hbm>>
      %dma_wait3A_43 = tpu.memref_squeeze %dma_wait3A_42 : memref<1x640x128xf32, #tpu.memory_space<hbm>> -> memref<640x128xf32, #tpu.memory_space<hbm>>
      tpu.wait_dma2 semaphore(%run_scoped3A : memref<!tpu.dma_semaphore, #tpu.memory_space<semaphore_mem>>) src(%dma_wait3A_43 : memref<640x128xf32, #tpu.memory_space<hbm>>) dst(%dma_wait3A_40 : memref<640x128xf32, #tpu.memory_space<vmem_shared>>)
      tpu.yield
    }) : () -> ()
    %barrier3A_24 = arith.constant 0 : index
    tpu.barrier barrier_id(%barrier3A_24)
    %scan3A_25 = arith.constant 0 : i32
    %scan3A_26 = arith.constant 0 : i32
    %scan3A_27 = arith.constant 5 : i32
    %scan3A_28 = arith.addi %scan3A_26, %scan3A_27 : i32
    %scan3A_29 = arith.constant 1 : i32
    scf.for %scan3A_36 = %scan3A_26 to %scan3A_28 step %scan3A_29  : i32 {
      %mul3A_37 = arith.constant 16 : i32
      %mul3A_38 = arith.muli %scan3A_36, %mul3A_37 : i32
      "tpu.region"() ({
        %run_scoped3A = tpu.sem_alloc : memref<!tpu.dma_semaphore, #tpu.memory_space<semaphore_mem>>
        %dma_start3A_62 = arith.constant 0 : i32
        %dma_start3A_63 = tpu.memref_slice %arg3[%arg1, %mul3A_38, %dma_start3A_62] : memref<16x80x128xi32, #tpu.memory_space<hbm>> -> memref<1x16x128xi32, #tpu.memory_space<hbm>>
        %dma_start3A_64 = tpu.memref_squeeze %dma_start3A_63 : memref<1x16x128xi32, #tpu.memory_space<hbm>> -> memref<16x128xi32, #tpu.memory_space<hbm>>
        %dma_start3A_65 = arith.constant 0 : i32
        %dma_start3A_66 = tpu.memref_slice %arg3[%arg1, %mul3A_38, %dma_start3A_65] : memref<16x80x128xi32, #tpu.memory_space<hbm>> -> memref<1x16x128xi32, #tpu.memory_space<hbm>>
        %dma_start3A_67 = tpu.memref_squeeze %dma_start3A_66 : memref<1x16x128xi32, #tpu.memory_space<hbm>> -> memref<16x128xi32, #tpu.memory_space<hbm>>
        tpu.enqueue_dma source(%dma_start3A_67 : memref<16x128xi32, #tpu.memory_space<hbm>>) target(%arg6 : memref<16x128xi32, #tpu.memory_space<vmem>>) target_semaphore(%run_scoped3A : memref<!tpu.dma_semaphore, #tpu.memory_space<semaphore_mem>>)
        %dma_wait3A = arith.constant 0 : i32
        %dma_wait3A_68 = tpu.memref_slice %arg3[%arg1, %mul3A_38, %dma_wait3A] : memref<16x80x128xi32, #tpu.memory_space<hbm>> -> memref<1x16x128xi32, #tpu.memory_space<hbm>>
        %dma_wait3A_69 = tpu.memref_squeeze %dma_wait3A_68 : memref<1x16x128xi32, #tpu.memory_space<hbm>> -> memref<16x128xi32, #tpu.memory_space<hbm>>
        %dma_wait3A_70 = arith.constant 0 : i32
        %dma_wait3A_71 = tpu.memref_slice %arg3[%arg1, %mul3A_38, %dma_wait3A_70] : memref<16x80x128xi32, #tpu.memory_space<hbm>> -> memref<1x16x128xi32, #tpu.memory_space<hbm>>
        %dma_wait3A_72 = tpu.memref_squeeze %dma_wait3A_71 : memref<1x16x128xi32, #tpu.memory_space<hbm>> -> memref<16x128xi32, #tpu.memory_space<hbm>>
        tpu.wait_dma2 semaphore(%run_scoped3A : memref<!tpu.dma_semaphore, #tpu.memory_space<semaphore_mem>>) src(%dma_wait3A_72 : memref<16x128xi32, #tpu.memory_space<hbm>>) dst(%arg6 : memref<16x128xi32, #tpu.memory_space<vmem>>)
        tpu.yield
      }) : () -> ()
      %mul3A_39 = arith.constant 16 : i32
      %mul3A_40 = arith.muli %scan3A_36, %mul3A_39 : i32
      "tpu.region"() ({
        %run_scoped3A = tpu.sem_alloc : memref<!tpu.dma_semaphore, #tpu.memory_space<semaphore_mem>>
        %dma_start3A_62 = arith.constant 0 : i32
        %dma_start3A_63 = tpu.memref_slice %arg4[%arg1, %mul3A_40, %dma_start3A_62] : memref<16x80x128xi32, #tpu.memory_space<hbm>> -> memref<1x16x128xi32, #tpu.memory_space<hbm>>
        %dma_start3A_64 = tpu.memref_squeeze %dma_start3A_63 : memref<1x16x128xi32, #tpu.memory_space<hbm>> -> memref<16x128xi32, #tpu.memory_space<hbm>>
        %dma_start3A_65 = arith.constant 0 : i32
        %dma_start3A_66 = tpu.memref_slice %arg4[%arg1, %mul3A_40, %dma_start3A_65] : memref<16x80x128xi32, #tpu.memory_space<hbm>> -> memref<1x16x128xi32, #tpu.memory_space<hbm>>
        %dma_start3A_67 = tpu.memref_squeeze %dma_start3A_66 : memref<1x16x128xi32, #tpu.memory_space<hbm>> -> memref<16x128xi32, #tpu.memory_space<hbm>>
        tpu.enqueue_dma source(%dma_start3A_67 : memref<16x128xi32, #tpu.memory_space<hbm>>) target(%arg7 : memref<16x128xi32, #tpu.memory_space<vmem>>) target_semaphore(%run_scoped3A : memref<!tpu.dma_semaphore, #tpu.memory_space<semaphore_mem>>)
        %dma_wait3A = arith.constant 0 : i32
        %dma_wait3A_68 = tpu.memref_slice %arg4[%arg1, %mul3A_40, %dma_wait3A] : memref<16x80x128xi32, #tpu.memory_space<hbm>> -> memref<1x16x128xi32, #tpu.memory_space<hbm>>
        %dma_wait3A_69 = tpu.memref_squeeze %dma_wait3A_68 : memref<1x16x128xi32, #tpu.memory_space<hbm>> -> memref<16x128xi32, #tpu.memory_space<hbm>>
        %dma_wait3A_70 = arith.constant 0 : i32
        %dma_wait3A_71 = tpu.memref_slice %arg4[%arg1, %mul3A_40, %dma_wait3A_70] : memref<16x80x128xi32, #tpu.memory_space<hbm>> -> memref<1x16x128xi32, #tpu.memory_space<hbm>>
        %dma_wait3A_72 = tpu.memref_squeeze %dma_wait3A_71 : memref<1x16x128xi32, #tpu.memory_space<hbm>> -> memref<16x128xi32, #tpu.memory_space<hbm>>
        tpu.wait_dma2 semaphore(%run_scoped3A : memref<!tpu.dma_semaphore, #tpu.memory_space<semaphore_mem>>) src(%dma_wait3A_72 : memref<16x128xi32, #tpu.memory_space<hbm>>) dst(%arg7 : memref<16x128xi32, #tpu.memory_space<vmem>>)
        tpu.yield
      }) : () -> ()
      %dma_start3A = arith.constant 0 : i32
      %dma_start3A_41 = arith.constant 0 : i32
      %dma_start3A_42 = arith.constant 0 : i32
      %dma_start3A_43 = arith.constant 0 : i32
      %dma_start3A_44 = tpu.memref_slice %arg8[%dma_start3A_41, %dma_start3A_42, %dma_start3A_43] : memref<2x128x128xf32, #tpu.memory_space<vmem>> -> memref<1x128x128xf32, #tpu.memory_space<vmem>>
      %dma_start3A_45 = tpu.memref_squeeze %dma_start3A_44 : memref<1x128x128xf32, #tpu.memory_space<vmem>> -> memref<128x128xf32, #tpu.memory_space<vmem>>
      %dma_start3A_46 = arith.constant 0 : i32
      %dma_start3A_47 = tpu.memref_slice %arg6[%dma_start3A, %dma_start3A_46] : memref<16x128xi32, #tpu.memory_space<vmem>> -> memref<1x128xi32, #tpu.memory_space<vmem>>
      %dma_start3A_48 = tpu.memref_squeeze %dma_start3A_47 : memref<1x128xi32, #tpu.memory_space<vmem>> -> memref<128xi32, #tpu.memory_space<vmem>>
      %dma_start3A_49 = arith.constant 0 : i32
      %dma_start3A_50 = arith.constant 0 : i32
      %dma_start3A_51 = tpu.memref_slice %arg2[%add3A_19, %dma_start3A_49, %dma_start3A_50] : memref<4x10240x128xf32, #tpu.memory_space<hbm>> -> memref<1x10240x128xf32, #tpu.memory_space<hbm>>
      %dma_start3A_52 = tpu.memref_squeeze %dma_start3A_51 : memref<1x10240x128xf32, #tpu.memory_space<hbm>> -> memref<10240x128xf32, #tpu.memory_space<hbm>>
      %dma_start3A_53 = arith.constant 0 : i32
      %dma_start3A_54 = arith.constant 0 : i32
      %dma_start3A_55 = tpu.memref_slice %dma_start3A_52[%dma_start3A_53, %dma_start3A_54] : memref<10240x128xf32, #tpu.memory_space<hbm>> -> memref<10240x128xf32, #tpu.memory_space<hbm>>
      tpu.enqueue_indirect_dma source(%dma_start3A_55 : memref<10240x128xf32, #tpu.memory_space<hbm>>) target(%dma_start3A_45 : memref<128x128xf32, #tpu.memory_space<vmem>>) offsets(%dma_start3A_48 : memref<128xi32, #tpu.memory_space<vmem>>) semaphore(%arg10 : memref<!tpu.dma_semaphore, #tpu.memory_space<semaphore_mem>>)
      %scan3A_56 = arith.constant 0 : i32
      %scan3A_57 = arith.constant 0 : i32
      %scan3A_58 = arith.constant 16 : i32
      %scan3A_59 = arith.addi %scan3A_57, %scan3A_58 : i32
      %scan3A_60 = arith.constant 1 : i32
      scf.for %scan3A_62 = %scan3A_57 to %scan3A_59 step %scan3A_60  : i32 {
        %rem3A = arith.constant 2 : i32
        %rem3A_63 = arith.remsi %scan3A_62, %rem3A : i32
        %add3A_64 = arith.constant 1 : i32
        %add3A_65 = arith.addi %scan3A_62, %add3A_64 : i32
        %rem3A_66 = arith.constant 2 : i32
        %rem3A_67 = arith.remsi %add3A_65, %rem3A_66 : i32
        %add3A_68 = arith.constant 1 : i32
        %add3A_69 = arith.addi %scan3A_62, %add3A_68 : i32
        %lt3A = arith.constant 16 : i32
        %lt3A_70 = arith.cmpi slt, %add3A_69, %lt3A : i32
        %convert_element_type3A = arith.extui %lt3A_70 : i1 to i32
        %cond3A = arith.constant 0 : i32
        %cond3A_71 = arith.cmpi ne, %convert_element_type3A, %cond3A : i32
        scf.if %cond3A_71 {
          %add3A_85 = arith.constant 1 : i32
          %add3A_86 = arith.addi %scan3A_62, %add3A_85 : i32
          %dma_start3A_87 = arith.constant 0 : i32
          %dma_start3A_88 = arith.constant 0 : i32
          %dma_start3A_89 = tpu.memref_slice %arg8[%rem3A_67, %dma_start3A_87, %dma_start3A_88] : memref<2x128x128xf32, #tpu.memory_space<vmem>> -> memref<1x128x128xf32, #tpu.memory_space<vmem>>
          %dma_start3A_90 = tpu.memref_squeeze %dma_start3A_89 : memref<1x128x128xf32, #tpu.memory_space<vmem>> -> memref<128x128xf32, #tpu.memory_space<vmem>>
          %dma_start3A_91 = arith.constant 0 : i32
          %dma_start3A_92 = tpu.memref_slice %arg6[%add3A_86, %dma_start3A_91] : memref<16x128xi32, #tpu.memory_space<vmem>> -> memref<1x128xi32, #tpu.memory_space<vmem>>
          %dma_start3A_93 = tpu.memref_squeeze %dma_start3A_92 : memref<1x128xi32, #tpu.memory_space<vmem>> -> memref<128xi32, #tpu.memory_space<vmem>>
          %dma_start3A_94 = arith.constant 0 : i32
          %dma_start3A_95 = arith.constant 0 : i32
          %dma_start3A_96 = tpu.memref_slice %arg2[%add3A_19, %dma_start3A_94, %dma_start3A_95] : memref<4x10240x128xf32, #tpu.memory_space<hbm>> -> memref<1x10240x128xf32, #tpu.memory_space<hbm>>
          %dma_start3A_97 = tpu.memref_squeeze %dma_start3A_96 : memref<1x10240x128xf32, #tpu.memory_space<hbm>> -> memref<10240x128xf32, #tpu.memory_space<hbm>>
          %dma_start3A_98 = arith.constant 0 : i32
          %dma_start3A_99 = arith.constant 0 : i32
          %dma_start3A_100 = tpu.memref_slice %dma_start3A_97[%dma_start3A_98, %dma_start3A_99] : memref<10240x128xf32, #tpu.memory_space<hbm>> -> memref<10240x128xf32, #tpu.memory_space<hbm>>
          tpu.enqueue_indirect_dma source(%dma_start3A_100 : memref<10240x128xf32, #tpu.memory_space<hbm>>) target(%dma_start3A_90 : memref<128x128xf32, #tpu.memory_space<vmem>>) offsets(%dma_start3A_93 : memref<128xi32, #tpu.memory_space<vmem>>) semaphore(%arg10 : memref<!tpu.dma_semaphore, #tpu.memory_space<semaphore_mem>>)
        } else {
        }
        %dma_wait3A = arith.constant 0 : i32
        %dma_wait3A_72 = arith.constant 0 : i32
        %dma_wait3A_73 = tpu.memref_slice %arg8[%rem3A_63, %dma_wait3A, %dma_wait3A_72] : memref<2x128x128xf32, #tpu.memory_space<vmem>> -> memref<1x128x128xf32, #tpu.memory_space<vmem>>
        %dma_wait3A_74 = tpu.memref_squeeze %dma_wait3A_73 : memref<1x128x128xf32, #tpu.memory_space<vmem>> -> memref<128x128xf32, #tpu.memory_space<vmem>>
        %dma_wait3A_75 = arith.constant 0 : i32
        %dma_wait3A_76 = tpu.memref_slice %arg6[%scan3A_62, %dma_wait3A_75] : memref<16x128xi32, #tpu.memory_space<vmem>> -> memref<1x128xi32, #tpu.memory_space<vmem>>
        %dma_wait3A_77 = tpu.memref_squeeze %dma_wait3A_76 : memref<1x128xi32, #tpu.memory_space<vmem>> -> memref<128xi32, #tpu.memory_space<vmem>>
        %dma_wait3A_78 = arith.constant 0 : i32
        %dma_wait3A_79 = arith.constant 0 : i32
        %dma_wait3A_80 = tpu.memref_slice %arg2[%add3A_19, %dma_wait3A_78, %dma_wait3A_79] : memref<4x10240x128xf32, #tpu.memory_space<hbm>> -> memref<1x10240x128xf32, #tpu.memory_space<hbm>>
        %dma_wait3A_81 = tpu.memref_squeeze %dma_wait3A_80 : memref<1x10240x128xf32, #tpu.memory_space<hbm>> -> memref<10240x128xf32, #tpu.memory_space<hbm>>
        %dma_wait3A_82 = arith.constant 0 : i32
        %dma_wait3A_83 = arith.constant 0 : i32
        %dma_wait3A_84 = tpu.memref_slice %dma_wait3A_81[%dma_wait3A_82, %dma_wait3A_83] : memref<10240x128xf32, #tpu.memory_space<hbm>> -> memref<10240x128xf32, #tpu.memory_space<hbm>>
        tpu.wait_indirect_dma semaphore(%arg10 : memref<!tpu.dma_semaphore, #tpu.memory_space<semaphore_mem>>) src(%dma_wait3A_84 : memref<10240x128xf32, #tpu.memory_space<hbm>>) dst(%dma_wait3A_74 : memref<128x128xf32, #tpu.memory_space<vmem>>)
        "tpu.region"() ({
          %run_scoped3A = tpu.sem_alloc : memref<!tpu.dma_semaphore, #tpu.memory_space<semaphore_mem>>
          %dma_start3A_85 = arith.constant 0 : i32
          %dma_start3A_86 = arith.constant 0 : i32
          %dma_start3A_87 = tpu.memref_slice %arg8[%rem3A_63, %dma_start3A_85, %dma_start3A_86] : memref<2x128x128xf32, #tpu.memory_space<vmem>> -> memref<1x128x128xf32, #tpu.memory_space<vmem>>
          %dma_start3A_88 = tpu.memref_squeeze %dma_start3A_87 : memref<1x128x128xf32, #tpu.memory_space<vmem>> -> memref<128x128xf32, #tpu.memory_space<vmem>>
          %dma_start3A_89 = arith.constant 0 : i32
          %dma_start3A_90 = tpu.memref_slice %arg7[%scan3A_62, %dma_start3A_89] : memref<16x128xi32, #tpu.memory_space<vmem>> -> memref<1x128xi32, #tpu.memory_space<vmem>>
          %dma_start3A_91 = tpu.memref_squeeze %dma_start3A_90 : memref<1x128xi32, #tpu.memory_space<vmem>> -> memref<128xi32, #tpu.memory_space<vmem>>
          %dma_start3A_92 = arith.constant 0 : i32
          %dma_start3A_93 = arith.constant 0 : i32
          %dma_start3A_94 = tpu.memref_slice %arg9[%dma_start3A_92, %dma_start3A_93] : memref<10240x128xf32, #tpu.memory_space<vmem_shared>> -> memref<10240x128xf32, #tpu.memory_space<vmem_shared>>
          tpu.enqueue_indirect_dma source(%dma_start3A_88 : memref<128x128xf32, #tpu.memory_space<vmem>>) target(%dma_start3A_94 : memref<10240x128xf32, #tpu.memory_space<vmem_shared>>) offsets(%dma_start3A_91 : memref<128xi32, #tpu.memory_space<vmem>>) semaphore(%run_scoped3A : memref<!tpu.dma_semaphore, #tpu.memory_space<semaphore_mem>>) {add = true}
          %dma_wait3A_95 = arith.constant 0 : i32
          %dma_wait3A_96 = arith.constant 0 : i32
          %dma_wait3A_97 = tpu.memref_slice %arg8[%rem3A_63, %dma_wait3A_95, %dma_wait3A_96] : memref<2x128x128xf32, #tpu.memory_space<vmem>> -> memref<1x128x128xf32, #tpu.memory_space<vmem>>
          %dma_wait3A_98 = tpu.memref_squeeze %dma_wait3A_97 : memref<1x128x128xf32, #tpu.memory_space<vmem>> -> memref<128x128xf32, #tpu.memory_space<vmem>>
          %dma_wait3A_99 = arith.constant 0 : i32
          %dma_wait3A_100 = tpu.memref_slice %arg7[%scan3A_62, %dma_wait3A_99] : memref<16x128xi32, #tpu.memory_space<vmem>> -> memref<1x128xi32, #tpu.memory_space<vmem>>
          %dma_wait3A_101 = tpu.memref_squeeze %dma_wait3A_100 : memref<1x128xi32, #tpu.memory_space<vmem>> -> memref<128xi32, #tpu.memory_space<vmem>>
          %dma_wait3A_102 = arith.constant 0 : i32
          %dma_wait3A_103 = arith.constant 0 : i32
          %dma_wait3A_104 = tpu.memref_slice %arg9[%dma_wait3A_102, %dma_wait3A_103] : memref<10240x128xf32, #tpu.memory_space<vmem_shared>> -> memref<10240x128xf32, #tpu.memory_space<vmem_shared>>
          tpu.wait_indirect_dma semaphore(%run_scoped3A : memref<!tpu.dma_semaphore, #tpu.memory_space<semaphore_mem>>) src(%dma_wait3A_98 : memref<128x128xf32, #tpu.memory_space<vmem>>) dst(%dma_wait3A_104 : memref<10240x128xf32, #tpu.memory_space<vmem_shared>>)
          tpu.yield
        }) : () -> ()
      }
      %scan3A_61 = arith.constant 16 : i32
    }
    %scan3A_30 = arith.constant 5 : i32
    %barrier3A_31 = arith.constant 0 : index
    tpu.barrier barrier_id(%barrier3A_31)
    %mul3A_32 = arith.constant 640 : i32
    %mul3A_33 = arith.muli %arg1, %mul3A_32 : i32
    %mul3A_34 = arith.constant 640 : i32
    %mul3A_35 = arith.muli %arg1, %mul3A_34 : i32
    "tpu.region"() ({
      %run_scoped3A = tpu.sem_alloc : memref<!tpu.dma_semaphore, #tpu.memory_space<semaphore_mem>>
      %dma_start3A = arith.constant 0 : i32
      %dma_start3A_36 = tpu.memref_slice %arg5[%add3A_19, %mul3A_35, %dma_start3A] : memref<4x10240x128xf32, #tpu.memory_space<hbm>> -> memref<1x640x128xf32, #tpu.memory_space<hbm>>
      %dma_start3A_37 = tpu.memref_squeeze %dma_start3A_36 : memref<1x640x128xf32, #tpu.memory_space<hbm>> -> memref<640x128xf32, #tpu.memory_space<hbm>>
      %dma_start3A_38 = arith.constant 0 : i32
      %dma_start3A_39 = tpu.memref_slice %arg9[%mul3A_33, %dma_start3A_38] : memref<10240x128xf32, #tpu.memory_space<vmem_shared>> -> memref<640x128xf32, #tpu.memory_space<vmem_shared>>
      tpu.enqueue_dma source(%dma_start3A_39 : memref<640x128xf32, #tpu.memory_space<vmem_shared>>) target(%dma_start3A_37 : memref<640x128xf32, #tpu.memory_space<hbm>>) target_semaphore(%run_scoped3A : memref<!tpu.dma_semaphore, #tpu.memory_space<semaphore_mem>>)
      %dma_wait3A = arith.constant 0 : i32
      %dma_wait3A_40 = tpu.memref_slice %arg5[%add3A_19, %mul3A_35, %dma_wait3A] : memref<4x10240x128xf32, #tpu.memory_space<hbm>> -> memref<1x640x128xf32, #tpu.memory_space<hbm>>
      %dma_wait3A_41 = tpu.memref_squeeze %dma_wait3A_40 : memref<1x640x128xf32, #tpu.memory_space<hbm>> -> memref<640x128xf32, #tpu.memory_space<hbm>>
      %dma_wait3A_42 = arith.constant 0 : i32
      %dma_wait3A_43 = tpu.memref_slice %arg9[%mul3A_33, %dma_wait3A_42] : memref<10240x128xf32, #tpu.memory_space<vmem_shared>> -> memref<640x128xf32, #tpu.memory_space<vmem_shared>>
      tpu.wait_dma2 semaphore(%run_scoped3A : memref<!tpu.dma_semaphore, #tpu.memory_space<semaphore_mem>>) src(%dma_wait3A_43 : memref<640x128xf32, #tpu.memory_space<vmem_shared>>) dst(%dma_wait3A_41 : memref<640x128xf32, #tpu.memory_space<hbm>>)
      tpu.yield
    }) : () -> ()
    return
  }
}

module attributes {stable_mosaic.version = 14 : i64} {
  func.func @_tc1_body(%arg0: i32, %arg1: memref<512x256xf32, #tpu.memory_space<vmem>>, %arg2: memref<256x512xf32, #tpu.memory_space<vmem>>, %arg3: memref<512x1xf32, #tpu.memory_space<vmem>>, %arg4: memref<4x512x128xf32, #tpu.memory_space<vmem>>) attributes {dimension_semantics = [#tpu.dimension_semantics<arbitrary>], iteration_bounds = array<i64: 20>, scalar_prefetch = 0 : i64, scratch_operands = 0 : i64, tpu.core_type = #tpu.core_type<tc>, window_params = [{transform_indices = @transform_0, window_bounds = array<i64: 512, 256>}, {pipeline_mode = #tpu.pipeline_mode<synchronous>, transform_indices = @transform_1, window_bounds = array<i64: 256, 512>}, {transform_indices = @transform_2, window_bounds = array<i64: 512, 1>}, {transform_indices = @transform_3, window_bounds = array<i64: 4, 512, 128>}]} {
    %get3A = arith.constant 0 : index
    %get3A_0 = arith.constant 0 : index
    %get3A_1 = vector.load %arg1[%get3A, %get3A_0] : memref<512x256xf32, #tpu.memory_space<vmem>>, vector<512x256xf32>
    %get3A_2 = arith.constant 0 : index
    %get3A_3 = arith.constant 0 : index
    %get3A_4 = vector.load %arg2[%get3A_2, %get3A_3] : memref<256x512xf32, #tpu.memory_space<vmem>>, vector<256x512xf32>
    %dot_general3A = arith.constant dense<0.000000e+00> : vector<512x512xf32>
    %dot_general3A_5 = tpu.matmul %get3A_1, %get3A_4, %dot_general3A {dimension_numbers = #tpu.dot_dimension_numbers<[1], [0], [0], [1], [0, 0, 1, 1], [], []>, transpose_lhs_hint = false} : vector<512x256xf32>, vector<256x512xf32>, vector<512x512xf32> -> vector<512x512xf32>
    %get3A_6 = arith.constant 0 : index
    %get3A_7 = arith.constant 0 : index
    %get3A_8 = vector.load %arg3[%get3A_6, %get3A_7] : memref<512x1xf32, #tpu.memory_space<vmem>>, vector<512x1xf32>
    %rsqrt3A = math.rsqrt %get3A_8 : vector<512x1xf32>
    %mul3A = vector.broadcast %rsqrt3A : vector<512x1xf32> to vector<512x512xf32>
    %mul3A_9 = arith.mulf %dot_general3A_5, %mul3A : vector<512x512xf32>
    %slice3A = vector.extract_strided_slice %mul3A_9 {offsets = [0, 0], sizes = [512, 128], strides = [1, 1]} : vector<512x512xf32> to vector<512x128xf32>
    %swap3A = arith.constant 0 : index
    %swap3A_10 = arith.constant 0 : index
    %swap3A_11 = arith.constant 0 : index
    %swap3A_12 = vector.load %arg4[%swap3A, %swap3A_10, %swap3A_11] : memref<4x512x128xf32, #tpu.memory_space<vmem>>, vector<1x512x128xf32>
    %swap3A_13 = vector.shape_cast %swap3A_12 : vector<1x512x128xf32> to vector<512x128xf32>
    %swap3A_14 = vector.shape_cast %slice3A : vector<512x128xf32> to vector<1x512x128xf32>
    tpu.vector_store %arg4[%swap3A, %swap3A_10, %swap3A_11], %swap3A_14 {strides = array<i32>} : memref<4x512x128xf32, #tpu.memory_space<vmem>>, vector<1x512x128xf32>,
    %slice3A_15 = vector.extract_strided_slice %mul3A_9 {offsets = [0, 128], sizes = [512, 128], strides = [1, 1]} : vector<512x512xf32> to vector<512x128xf32>
    %swap3A_16 = arith.constant 1 : index
    %swap3A_17 = arith.constant 0 : index
    %swap3A_18 = arith.constant 0 : index
    %swap3A_19 = vector.load %arg4[%swap3A_16, %swap3A_17, %swap3A_18] : memref<4x512x128xf32, #tpu.memory_space<vmem>>, vector<1x512x128xf32>
    %swap3A_20 = vector.shape_cast %swap3A_19 : vector<1x512x128xf32> to vector<512x128xf32>
    %swap3A_21 = vector.shape_cast %slice3A_15 : vector<512x128xf32> to vector<1x512x128xf32>
    tpu.vector_store %arg4[%swap3A_16, %swap3A_17, %swap3A_18], %swap3A_21 {strides = array<i32>} : memref<4x512x128xf32, #tpu.memory_space<vmem>>, vector<1x512x128xf32>,
    %slice3A_22 = vector.extract_strided_slice %mul3A_9 {offsets = [0, 256], sizes = [512, 128], strides = [1, 1]} : vector<512x512xf32> to vector<512x128xf32>
    %swap3A_23 = arith.constant 2 : index
    %swap3A_24 = arith.constant 0 : index
    %swap3A_25 = arith.constant 0 : index
    %swap3A_26 = vector.load %arg4[%swap3A_23, %swap3A_24, %swap3A_25] : memref<4x512x128xf32, #tpu.memory_space<vmem>>, vector<1x512x128xf32>
    %swap3A_27 = vector.shape_cast %swap3A_26 : vector<1x512x128xf32> to vector<512x128xf32>
    %swap3A_28 = vector.shape_cast %slice3A_22 : vector<512x128xf32> to vector<1x512x128xf32>
    tpu.vector_store %arg4[%swap3A_23, %swap3A_24, %swap3A_25], %swap3A_28 {strides = array<i32>} : memref<4x512x128xf32, #tpu.memory_space<vmem>>, vector<1x512x128xf32>,
    %slice3A_29 = vector.extract_strided_slice %mul3A_9 {offsets = [0, 384], sizes = [512, 128], strides = [1, 1]} : vector<512x512xf32> to vector<512x128xf32>
    %swap3A_30 = arith.constant 3 : index
    %swap3A_31 = arith.constant 0 : index
    %swap3A_32 = arith.constant 0 : index
    %swap3A_33 = vector.load %arg4[%swap3A_30, %swap3A_31, %swap3A_32] : memref<4x512x128xf32, #tpu.memory_space<vmem>>, vector<1x512x128xf32>
    %swap3A_34 = vector.shape_cast %swap3A_33 : vector<1x512x128xf32> to vector<512x128xf32>
    %swap3A_35 = vector.shape_cast %slice3A_29 : vector<512x128xf32> to vector<1x512x128xf32>
    tpu.vector_store %arg4[%swap3A_30, %swap3A_31, %swap3A_32], %swap3A_35 {strides = array<i32>} : memref<4x512x128xf32, #tpu.memory_space<vmem>>, vector<1x512x128xf32>,
    return
  }
  func.func @transform_0(%arg0: i32) -> (i32, i32) {
    %c0_i32 = arith.constant 0 : i32
    %c0_i32_0 = arith.constant 0 : i32
    return %arg0, %c0_i32 : i32, i32
  }
  func.func @transform_1(%arg0: i32) -> (i32, i32) {
    %c0_i32 = arith.constant 0 : i32
    %c0_i32_0 = arith.constant 0 : i32
    %c0_i32_1 = arith.constant 0 : i32
    return %c0_i32, %c0_i32_0 : i32, i32
  }
  func.func @transform_2(%arg0: i32) -> (i32, i32) {
    %c0_i32 = arith.constant 0 : i32
    %c0_i32_0 = arith.constant 0 : i32
    return %arg0, %c0_i32 : i32, i32
  }
  func.func @transform_3(%arg0: i32) -> (i32, i32, i32) {
    %c0_i32 = arith.constant 0 : i32
    %c0_i32_0 = arith.constant 0 : i32
    %c0_i32_1 = arith.constant 0 : i32
    return %c0_i32, %arg0, %c0_i32_0 : i32, i32, i32
  }
}

module attributes {stable_mosaic.version = 14 : i64} {
  func.func @_tc2_body(%arg0: i32, %arg1: memref<4x512x128xf32, #tpu.memory_space<vmem>>, %arg2: memref<512x1xf32, #tpu.memory_space<vmem>>, %arg3: memref<1x512xf32, #tpu.memory_space<vmem>>, %arg4: memref<512x512xf32, #tpu.memory_space<vmem>>, %arg5: memref<4x512x128xf32, #tpu.memory_space<vmem>>) attributes {dimension_semantics = [#tpu.dimension_semantics<arbitrary>], iteration_bounds = array<i64: 20>, scalar_prefetch = 0 : i64, scratch_operands = 0 : i64, tpu.core_type = #tpu.core_type<tc>, window_params = [{transform_indices = @transform_0, window_bounds = array<i64: 4, 512, 128>}, {transform_indices = @transform_1, window_bounds = array<i64: 512, 1>}, {pipeline_mode = #tpu.pipeline_mode<synchronous>, transform_indices = @transform_2, window_bounds = array<i64: 1, 512>}, {pipeline_mode = #tpu.pipeline_mode<synchronous>, transform_indices = @transform_3, window_bounds = array<i64: 512, 512>}, {transform_indices = @transform_4, window_bounds = array<i64: 4, 512, 128>}]} {
    %get3A = arith.constant 0 : index
    %get3A_0 = arith.constant 0 : index
    %get3A_1 = vector.load %arg2[%get3A, %get3A_0] : memref<512x1xf32, #tpu.memory_space<vmem>>, vector<512x1xf32>
    %rsqrt3A = math.rsqrt %get3A_1 : vector<512x1xf32>
    %get3A_2 = arith.constant 0 : index
    %get3A_3 = arith.constant 0 : index
    %get3A_4 = arith.constant 0 : index
    %get3A_5 = vector.load %arg1[%get3A_2, %get3A_3, %get3A_4] : memref<4x512x128xf32, #tpu.memory_space<vmem>>, vector<1x512x128xf32>
    %get3A_6 = vector.shape_cast %get3A_5 : vector<1x512x128xf32> to vector<512x128xf32>
    %get3A_7 = arith.constant 1 : index
    %get3A_8 = arith.constant 0 : index
    %get3A_9 = arith.constant 0 : index
    %get3A_10 = vector.load %arg1[%get3A_7, %get3A_8, %get3A_9] : memref<4x512x128xf32, #tpu.memory_space<vmem>>, vector<1x512x128xf32>
    %get3A_11 = vector.shape_cast %get3A_10 : vector<1x512x128xf32> to vector<512x128xf32>
    %get3A_12 = arith.constant 2 : index
    %get3A_13 = arith.constant 0 : index
    %get3A_14 = arith.constant 0 : index
    %get3A_15 = vector.load %arg1[%get3A_12, %get3A_13, %get3A_14] : memref<4x512x128xf32, #tpu.memory_space<vmem>>, vector<1x512x128xf32>
    %get3A_16 = vector.shape_cast %get3A_15 : vector<1x512x128xf32> to vector<512x128xf32>
    %get3A_17 = arith.constant 3 : index
    %get3A_18 = arith.constant 0 : index
    %get3A_19 = arith.constant 0 : index
    %get3A_20 = vector.load %arg1[%get3A_17, %get3A_18, %get3A_19] : memref<4x512x128xf32, #tpu.memory_space<vmem>>, vector<1x512x128xf32>
    %get3A_21 = vector.shape_cast %get3A_20 : vector<1x512x128xf32> to vector<512x128xf32>
    %concatenate3A = tpu.concatenate %get3A_6, %get3A_11, %get3A_16, %get3A_21 in 1 : vector<512x128xf32>, vector<512x128xf32>, vector<512x128xf32>, vector<512x128xf32> -> vector<512x512xf32>
    %mul3A = vector.broadcast %rsqrt3A : vector<512x1xf32> to vector<512x512xf32>
    %mul3A_22 = arith.mulf %concatenate3A, %mul3A : vector<512x512xf32>
    %get3A_23 = arith.constant 0 : index
    %get3A_24 = arith.constant 0 : index
    %get3A_25 = vector.load %arg3[%get3A_23, %get3A_24] : memref<1x512xf32, #tpu.memory_space<vmem>>, vector<1x512xf32>
    %add3A = vector.broadcast %get3A_25 : vector<1x512xf32> to vector<512x512xf32>
    %add3A_26 = arith.addf %mul3A_22, %add3A : vector<512x512xf32>
    %max3A = arith.constant 0.000000e+00 : f32
    %max3A_27 = vector.broadcast %max3A : f32 to vector<512x512xf32>
    %max3A_28 = arith.maximumf %add3A_26, %max3A_27 : vector<512x512xf32>
    %get3A_29 = arith.constant 0 : index
    %get3A_30 = arith.constant 0 : index
    %get3A_31 = vector.load %arg4[%get3A_29, %get3A_30] : memref<512x512xf32, #tpu.memory_space<vmem>>, vector<512x512xf32>
    %dot_general3A = arith.constant dense<0.000000e+00> : vector<512x512xf32>
    %dot_general3A_32 = tpu.matmul %max3A_28, %get3A_31, %dot_general3A {dimension_numbers = #tpu.dot_dimension_numbers<[1], [0], [0], [1], [0, 0, 1, 1], [], []>, transpose_lhs_hint = false} : vector<512x512xf32>, vector<512x512xf32>, vector<512x512xf32> -> vector<512x512xf32>
    %mul3A_33 = vector.broadcast %rsqrt3A : vector<512x1xf32> to vector<512x512xf32>
    %mul3A_34 = arith.mulf %dot_general3A_32, %mul3A_33 : vector<512x512xf32>
    %slice3A = vector.extract_strided_slice %mul3A_34 {offsets = [0, 0], sizes = [512, 128], strides = [1, 1]} : vector<512x512xf32> to vector<512x128xf32>
    %swap3A = arith.constant 0 : index
    %swap3A_35 = arith.constant 0 : index
    %swap3A_36 = arith.constant 0 : index
    %swap3A_37 = vector.load %arg5[%swap3A, %swap3A_35, %swap3A_36] : memref<4x512x128xf32, #tpu.memory_space<vmem>>, vector<1x512x128xf32>
    %swap3A_38 = vector.shape_cast %swap3A_37 : vector<1x512x128xf32> to vector<512x128xf32>
    %swap3A_39 = vector.shape_cast %slice3A : vector<512x128xf32> to vector<1x512x128xf32>
    tpu.vector_store %arg5[%swap3A, %swap3A_35, %swap3A_36], %swap3A_39 {strides = array<i32>} : memref<4x512x128xf32, #tpu.memory_space<vmem>>, vector<1x512x128xf32>,
    %slice3A_40 = vector.extract_strided_slice %mul3A_34 {offsets = [0, 128], sizes = [512, 128], strides = [1, 1]} : vector<512x512xf32> to vector<512x128xf32>
    %swap3A_41 = arith.constant 1 : index
    %swap3A_42 = arith.constant 0 : index
    %swap3A_43 = arith.constant 0 : index
    %swap3A_44 = vector.load %arg5[%swap3A_41, %swap3A_42, %swap3A_43] : memref<4x512x128xf32, #tpu.memory_space<vmem>>, vector<1x512x128xf32>
    %swap3A_45 = vector.shape_cast %swap3A_44 : vector<1x512x128xf32> to vector<512x128xf32>
    %swap3A_46 = vector.shape_cast %slice3A_40 : vector<512x128xf32> to vector<1x512x128xf32>
    tpu.vector_store %arg5[%swap3A_41, %swap3A_42, %swap3A_43], %swap3A_46 {strides = array<i32>} : memref<4x512x128xf32, #tpu.memory_space<vmem>>, vector<1x512x128xf32>,
    %slice3A_47 = vector.extract_strided_slice %mul3A_34 {offsets = [0, 256], sizes = [512, 128], strides = [1, 1]} : vector<512x512xf32> to vector<512x128xf32>
    %swap3A_48 = arith.constant 2 : index
    %swap3A_49 = arith.constant 0 : index
    %swap3A_50 = arith.constant 0 : index
    %swap3A_51 = vector.load %arg5[%swap3A_48, %swap3A_49, %swap3A_50] : memref<4x512x128xf32, #tpu.memory_space<vmem>>, vector<1x512x128xf32>
    %swap3A_52 = vector.shape_cast %swap3A_51 : vector<1x512x128xf32> to vector<512x128xf32>
    %swap3A_53 = vector.shape_cast %slice3A_47 : vector<512x128xf32> to vector<1x512x128xf32>
    tpu.vector_store %arg5[%swap3A_48, %swap3A_49, %swap3A_50], %swap3A_53 {strides = array<i32>} : memref<4x512x128xf32, #tpu.memory_space<vmem>>, vector<1x512x128xf32>,
    %slice3A_54 = vector.extract_strided_slice %mul3A_34 {offsets = [0, 384], sizes = [512, 128], strides = [1, 1]} : vector<512x512xf32> to vector<512x128xf32>
    %swap3A_55 = arith.constant 3 : index
    %swap3A_56 = arith.constant 0 : index
    %swap3A_57 = arith.constant 0 : index
    %swap3A_58 = vector.load %arg5[%swap3A_55, %swap3A_56, %swap3A_57] : memref<4x512x128xf32, #tpu.memory_space<vmem>>, vector<1x512x128xf32>
    %swap3A_59 = vector.shape_cast %swap3A_58 : vector<1x512x128xf32> to vector<512x128xf32>
    %swap3A_60 = vector.shape_cast %slice3A_54 : vector<512x128xf32> to vector<1x512x128xf32>
    tpu.vector_store %arg5[%swap3A_55, %swap3A_56, %swap3A_57], %swap3A_60 {strides = array<i32>} : memref<4x512x128xf32, #tpu.memory_space<vmem>>, vector<1x512x128xf32>,
    return
  }
  func.func @transform_0(%arg0: i32) -> (i32, i32, i32) {
    %c0_i32 = arith.constant 0 : i32
    %c0_i32_0 = arith.constant 0 : i32
    %c0_i32_1 = arith.constant 0 : i32
    return %c0_i32, %arg0, %c0_i32_0 : i32, i32, i32
  }
  func.func @transform_1(%arg0: i32) -> (i32, i32) {
    %c0_i32 = arith.constant 0 : i32
    %c0_i32_0 = arith.constant 0 : i32
    return %arg0, %c0_i32 : i32, i32
  }
  func.func @transform_2(%arg0: i32) -> (i32, i32) {
    %c0_i32 = arith.constant 0 : i32
    %c0_i32_0 = arith.constant 0 : i32
    %c0_i32_1 = arith.constant 0 : i32
    return %c0_i32, %c0_i32_0 : i32, i32
  }
  func.func @transform_3(%arg0: i32) -> (i32, i32) {
    %c0_i32 = arith.constant 0 : i32
    %c0_i32_0 = arith.constant 0 : i32
    %c0_i32_1 = arith.constant 0 : i32
    return %c0_i32, %c0_i32_0 : i32, i32
  }
  func.func @transform_4(%arg0: i32) -> (i32, i32, i32) {
    %c0_i32 = arith.constant 0 : i32
    %c0_i32_0 = arith.constant 0 : i32
    %c0_i32_1 = arith.constant 0 : i32
    return %c0_i32, %arg0, %c0_i32_0 : i32, i32, i32
  }
}

module attributes {stable_mosaic.version = 14 : i64} {
  func.func @_tc3_body(%arg0: i32, %arg1: memref<4x512x128xf32, #tpu.memory_space<vmem>>, %arg2: memref<512x1xf32, #tpu.memory_space<vmem>>, %arg3: memref<1x512xf32, #tpu.memory_space<vmem>>, %arg4: memref<512x256xf32, #tpu.memory_space<vmem>>, %arg5: memref<1x256xf32, #tpu.memory_space<vmem>>, %arg6: memref<1x256xf32, #tpu.memory_space<vmem>>, %arg7: memref<1x512xf32, #tpu.memory_space<vmem>>) attributes {dimension_semantics = [#tpu.dimension_semantics<arbitrary>], iteration_bounds = array<i64: 20>, scalar_prefetch = 0 : i64, scratch_operands = 1 : i64, tpu.core_type = #tpu.core_type<tc>, window_params = [{transform_indices = @transform_0, window_bounds = array<i64: 4, 512, 128>}, {transform_indices = @transform_1, window_bounds = array<i64: 512, 1>}, {pipeline_mode = #tpu.pipeline_mode<synchronous>, transform_indices = @transform_2, window_bounds = array<i64: 1, 512>}, {pipeline_mode = #tpu.pipeline_mode<synchronous>, transform_indices = @transform_3, window_bounds = array<i64: 512, 256>}, {pipeline_mode = #tpu.pipeline_mode<synchronous>, transform_indices = @transform_4, window_bounds = array<i64: 1, 256>}, {pipeline_mode = #tpu.pipeline_mode<synchronous>, transform_indices = @transform_5, window_bounds = array<i64: 1, 256>}]} {
    %get3A = arith.constant 0 : index
    %get3A_0 = arith.constant 0 : index
    %get3A_1 = vector.load %arg2[%get3A, %get3A_0] : memref<512x1xf32, #tpu.memory_space<vmem>>, vector<512x1xf32>
    %rsqrt3A = math.rsqrt %get3A_1 : vector<512x1xf32>
    %iota3A = tpu.iota {dimensions = array<i32: 0>} : vector<512x1xi32>
    %mul3A = arith.constant 512 : i32
    %mul3A_2 = arith.muli %arg0, %mul3A : i32
    %add3A = vector.broadcast %mul3A_2 : i32 to vector<512x1xi32>
    %add3A_3 = arith.addi %iota3A, %add3A : vector<512x1xi32>
    %lt3A = arith.constant 10000 : i32
    %lt3A_4 = vector.broadcast %lt3A : i32 to vector<512x1xi32>
    %lt3A_5 = arith.cmpi slt, %add3A_3, %lt3A_4 : vector<512x1xi32>
    %get3A_6 = arith.constant 0 : index
    %get3A_7 = arith.constant 0 : index
    %get3A_8 = arith.constant 0 : index
    %get3A_9 = vector.load %arg1[%get3A_6, %get3A_7, %get3A_8] : memref<4x512x128xf32, #tpu.memory_space<vmem>>, vector<1x512x128xf32>
    %get3A_10 = vector.shape_cast %get3A_9 : vector<1x512x128xf32> to vector<512x128xf32>
    %get3A_11 = arith.constant 1 : index
    %get3A_12 = arith.constant 0 : index
    %get3A_13 = arith.constant 0 : index
    %get3A_14 = vector.load %arg1[%get3A_11, %get3A_12, %get3A_13] : memref<4x512x128xf32, #tpu.memory_space<vmem>>, vector<1x512x128xf32>
    %get3A_15 = vector.shape_cast %get3A_14 : vector<1x512x128xf32> to vector<512x128xf32>
    %get3A_16 = arith.constant 2 : index
    %get3A_17 = arith.constant 0 : index
    %get3A_18 = arith.constant 0 : index
    %get3A_19 = vector.load %arg1[%get3A_16, %get3A_17, %get3A_18] : memref<4x512x128xf32, #tpu.memory_space<vmem>>, vector<1x512x128xf32>
    %get3A_20 = vector.shape_cast %get3A_19 : vector<1x512x128xf32> to vector<512x128xf32>
    %get3A_21 = arith.constant 3 : index
    %get3A_22 = arith.constant 0 : index
    %get3A_23 = arith.constant 0 : index
    %get3A_24 = vector.load %arg1[%get3A_21, %get3A_22, %get3A_23] : memref<4x512x128xf32, #tpu.memory_space<vmem>>, vector<1x512x128xf32>
    %get3A_25 = vector.shape_cast %get3A_24 : vector<1x512x128xf32> to vector<512x128xf32>
    %concatenate3A = tpu.concatenate %get3A_10, %get3A_15, %get3A_20, %get3A_25 in 1 : vector<512x128xf32>, vector<512x128xf32>, vector<512x128xf32>, vector<512x128xf32> -> vector<512x512xf32>
    %mul3A_26 = vector.broadcast %rsqrt3A : vector<512x1xf32> to vector<512x512xf32>
    %mul3A_27 = arith.mulf %concatenate3A, %mul3A_26 : vector<512x512xf32>
    %get3A_28 = arith.constant 0 : index
    %get3A_29 = arith.constant 0 : index
    %get3A_30 = vector.load %arg3[%get3A_28, %get3A_29] : memref<1x512xf32, #tpu.memory_space<vmem>>, vector<1x512xf32>
    %add3A_31 = vector.broadcast %get3A_30 : vector<1x512xf32> to vector<512x512xf32>
    %add3A_32 = arith.addf %mul3A_27, %add3A_31 : vector<512x512xf32>
    %max3A = arith.constant 0.000000e+00 : f32
    %max3A_33 = vector.broadcast %max3A : f32 to vector<512x512xf32>
    %max3A_34 = arith.maximumf %add3A_32, %max3A_33 : vector<512x512xf32>
    %jit3A = arith.constant 0.000000e+00 : f32
    %broadcast_in_dim3A = vector.shape_cast %lt3A_5 : vector<512x1xi1> to vector<512x1xi1>
    %broadcast_in_dim3A_35 = vector.broadcast %broadcast_in_dim3A : vector<512x1xi1> to vector<512x512xi1>
    %broadcast_in_dim3A_36 = vector.broadcast %jit3A : f32 to vector<512x512xf32>
    %select_n3A = arith.select %broadcast_in_dim3A_35, %max3A_34, %broadcast_in_dim3A_36 : vector<512x512xi1>, vector<512x512xf32>
    %reduce_sum3A = arith.constant dense<0.000000e+00> : vector<512xf32>
    %reduce_sum3A_37 = vector.multi_reduction <add>, %select_n3A, %reduce_sum3A [0] : vector<512x512xf32> to vector<512xf32>
    %broadcast_in_dim3A_38 = vector.shape_cast %reduce_sum3A_37 : vector<512xf32> to vector<1x512xf32>
    %eq3A = arith.constant 0 : i32
    %eq3A_39 = arith.cmpi eq, %arg0, %eq3A : i32
    %convert_element_type3A = arith.extui %eq3A_39 : i1 to i32
    %cond3A = arith.constant 0 : i32
    %cond3A_40 = arith.cmpi ne, %convert_element_type3A, %cond3A : i32
    scf.if %cond3A_40 {
      %swap3A = arith.constant 0 : index
      %swap3A_50 = arith.constant 0 : index
      %swap3A_51 = vector.load %arg7[%swap3A, %swap3A_50] : memref<1x512xf32, #tpu.memory_space<vmem>>, vector<1x512xf32>
      tpu.vector_store %arg7[%swap3A, %swap3A_50], %broadcast_in_dim3A_38 {strides = array<i32>} : memref<1x512xf32, #tpu.memory_space<vmem>>, vector<1x512xf32>,
    } else {
    }
    %gt3A = arith.constant 0 : i32
    %gt3A_41 = arith.cmpi sgt, %arg0, %gt3A : i32
    %convert_element_type3A_42 = arith.extui %gt3A_41 : i1 to i32
    %cond3A_43 = arith.constant 0 : i32
    %cond3A_44 = arith.cmpi ne, %convert_element_type3A_42, %cond3A_43 : i32
    scf.if %cond3A_44 {
      %get3A_50 = arith.constant 0 : index
      %get3A_51 = arith.constant 0 : index
      %get3A_52 = vector.load %arg7[%get3A_50, %get3A_51] : memref<1x512xf32, #tpu.memory_space<vmem>>, vector<1x512xf32>
      %add3A_53 = arith.addf %get3A_52, %broadcast_in_dim3A_38 : vector<1x512xf32>
      %swap3A = arith.constant 0 : index
      %swap3A_54 = arith.constant 0 : index
      %swap3A_55 = vector.load %arg7[%swap3A, %swap3A_54] : memref<1x512xf32, #tpu.memory_space<vmem>>, vector<1x512xf32>
      tpu.vector_store %arg7[%swap3A, %swap3A_54], %add3A_53 {strides = array<i32>} : memref<1x512xf32, #tpu.memory_space<vmem>>, vector<1x512xf32>,
    } else {
    }
    %eq3A_45 = arith.constant 19 : i32
    %eq3A_46 = arith.cmpi eq, %arg0, %eq3A_45 : i32
    %convert_element_type3A_47 = arith.extui %eq3A_46 : i1 to i32
    %cond3A_48 = arith.constant 0 : i32
    %cond3A_49 = arith.cmpi ne, %convert_element_type3A_47, %cond3A_48 : i32
    scf.if %cond3A_49 {
      %get3A_50 = arith.constant 0 : index
      %get3A_51 = arith.constant 0 : index
      %get3A_52 = vector.load %arg7[%get3A_50, %get3A_51] : memref<1x512xf32, #tpu.memory_space<vmem>>, vector<1x512xf32>
      %mul3A_53 = arith.constant 9.99999974E-5 : f32
      %mul3A_54 = vector.broadcast %mul3A_53 : f32 to vector<1x512xf32>
      %mul3A_55 = arith.mulf %get3A_52, %mul3A_54 : vector<1x512xf32>
      %get3A_56 = arith.constant 0 : index
      %get3A_57 = arith.constant 0 : index
      %get3A_58 = vector.load %arg4[%get3A_56, %get3A_57] : memref<512x256xf32, #tpu.memory_space<vmem>>, vector<512x256xf32>
      %dot_general3A = arith.constant dense<0.000000e+00> : vector<1x256xf32>
      %dot_general3A_59 = tpu.matmul %mul3A_55, %get3A_58, %dot_general3A {dimension_numbers = #tpu.dot_dimension_numbers<[1], [0], [0], [1], [0, 0, 1, 1], [], []>, transpose_lhs_hint = false} : vector<1x512xf32>, vector<512x256xf32>, vector<1x256xf32> -> vector<1x256xf32>
      %get3A_60 = arith.constant 0 : index
      %get3A_61 = arith.constant 0 : index
      %get3A_62 = vector.load %arg5[%get3A_60, %get3A_61] : memref<1x256xf32, #tpu.memory_space<vmem>>, vector<1x256xf32>
      %add3A_63 = arith.addf %dot_general3A_59, %get3A_62 : vector<1x256xf32>
      %swap3A = arith.constant 0 : index
      %swap3A_64 = arith.constant 0 : index
      %swap3A_65 = vector.load %arg6[%swap3A, %swap3A_64] : memref<1x256xf32, #tpu.memory_space<vmem>>, vector<1x256xf32>
      tpu.vector_store %arg6[%swap3A, %swap3A_64], %add3A_63 {strides = array<i32>} : memref<1x256xf32, #tpu.memory_space<vmem>>, vector<1x256xf32>,
    } else {
    }
    return
  }
  func.func @transform_0(%arg0: i32) -> (i32, i32, i32) {
    %c0_i32 = arith.constant 0 : i32
    %c0_i32_0 = arith.constant 0 : i32
    %c0_i32_1 = arith.constant 0 : i32
    return %c0_i32, %arg0, %c0_i32_0 : i32, i32, i32
  }
  func.func @transform_1(%arg0: i32) -> (i32, i32) {
    %c0_i32 = arith.constant 0 : i32
    %c0_i32_0 = arith.constant 0 : i32
    return %arg0, %c0_i32 : i32, i32
  }
  func.func @transform_2(%arg0: i32) -> (i32, i32) {
    %c0_i32 = arith.constant 0 : i32
    %c0_i32_0 = arith.constant 0 : i32
    %c0_i32_1 = arith.constant 0 : i32
    return %c0_i32, %c0_i32_0 : i32, i32
  }
  func.func @transform_3(%arg0: i32) -> (i32, i32) {
    %c0_i32 = arith.constant 0 : i32
    %c0_i32_0 = arith.constant 0 : i32
    %c0_i32_1 = arith.constant 0 : i32
    return %c0_i32, %c0_i32_0 : i32, i32
  }
  func.func @transform_4(%arg0: i32) -> (i32, i32) {
    %c0_i32 = arith.constant 0 : i32
    %c0_i32_0 = arith.constant 0 : i32
    %c0_i32_1 = arith.constant 0 : i32
    return %c0_i32, %c0_i32_0 : i32, i32
  }
  func.func @transform_5(%arg0: i32) -> (i32, i32) {
    %c0_i32 = arith.constant 0 : i32
    %c0_i32_0 = arith.constant 0 : i32
    %c0_i32_1 = arith.constant 0 : i32
    return %c0_i32, %c0_i32_0 : i32, i32
  }
}

</mosaic_0001>

<sc_bundles>
// kernel: kernel.11.cloned.1.call-start
scs
__scs_entry_jumppad:
0x0: {  	(pc) =	sbr.rel $0x88, $3  }
0x1: {  	(tag) =	ssettag $0x0;
	lr =	simm.s32 $0x1  }
0x2: {  	[smem:$0x3F99] =	sst lr;
	_ =	strace $0xD0000000  }
0x3: {  	_ = 	snop  }
0x4: {  	_ = 	snop  }
0x5: {  	_ = 	snop  }
0x6: {  	_ = 	snop  }
0x7: {  	_ = 	snop  }
__scs_overlays_trampoline_lowered:
0x8: {  	[smem:$0x3FA8] =	sst s0  }
0x9: {  	[smem:$0x3FA9] =	sst s1  }
0xa: {  	[smem:$0x3FAA] =	sst s2  }
0xb: {  	[smem:$0x3FAB] =	sst s3  }
0xc: {  	[smem:$0x3FAC] =	sst s4  }
0xd: {  	[smem:$0x3FAD] =	sst s5  }
0xe: {  	[smem:$0x3FAE] =	sst s6  }
0xf: {  	[smem:$0x3FAF] =	sst s7  }
0x10: {  	[smem:$0x3FB0] =	sst s8  }
0x11: {  	[smem:$0x3FB1] =	sst s9;
	s0 =	simm.s32 @!p0 $0x0  }
0x12: {  	s1 =	sld [smem:$0x3F97];
	s0 =	simm.s32 @p0 $0x1  }
0x13: {  	[smem:$0x3FB2] =	sst s0;
	s0 =	simm.s32 @!p1 $0x0  }
0x14: {  	s2 =	sld [smem:$0x3F96];
	s0 =	simm.s32 @p1 $0x1  }
0x15: {  	[smem:$0x3FB3] =	sst s0;
	s0 =	simm.s32 @!p2 $0x0  }
0x16: {  	s3 =	sld [smem:$0x3FDB];
	s0 =	simm.s32 @p2 $0x1  }
0x17: {  	s4 =	simm.s32 $0x1BF5;
	[smem:$0x3FB5] =	sst s0  }
0x18: {  	s0 =	sld [smem:$0x3F98];
	_ =	swait.ge [sflag:s4], $0x0  }
0x19: {  	s7 =	sld [smem:$0x3F99]  }
0x1a: {  	s8 =	sadd.s32 $0xFFFFE003, lr  }
0x1b: {  	s9 =	sadd.s32 $0xFFFFFEF7, lr;
	s5 =	simm.s32 $0xFFFFFFFF;
	p2 =	slt.u32 s8, $0xFFFFF086  }
0x1c: {  	p1 =	slt.u32 s9, $0xF7A;
	s5 =	simm.s32 @!p2 $0x0  }
0x1d: {  	s5 =	simm.s32 @p1 $0x1;
	p0 =	seq.s32 s7, s2  }
0x1e: {  	s7 =	smul.u32 @!p0 $0xF7A, s2;
	p2 =	seq.s32 @!p0 s5, $0x0  }
0x1f: {  	s9 =	smul.u32 $0xF7A, s1;
	s8 =	simm.s32 @!p0 $0x1BF5;
	p2 =	por !p2, p0  }
0x20: {  	[sflag:s8] =	ssyncset.s32 @!p0 $0xFFFFF086;
	s6 =	sadd.s32 @!p0 s3, s7;
	s7 =	simm.s32 @!p0 $0x108  }
0x21: {  	s3 =	sadd.s32 s3, s9;
	s6 =	sadd.s32 @!p0 $0x88, s6;
	s7 =	simm.s32 @p2 $0x1082  }
0x22: {  	[simem:s7], [sflag:s8] =	dma.local @!p0 [hbm:s6], $0xF7A  }
0x23: {  	s9 =	sor.u32 $0xD0000000, s2;
	s6 =	simm.s32 $0x108;
	_ =	swait.ge @!p0 [sflag:s8], $0x0  }
0x24: {  	s3 =	sadd.s32 $0x88, s3;
	s6 =	simm.s32 @!p1 $0x1082;
	[sflag:s4] =	ssyncset.s32 $0xFFFFF086  }
0x25: {  	[simem:s6], [sflag:s4] =	dma.local [hbm:s3], $0xF7A  }
0x26: {  	[smem:$0x3F99] =	sst s1;
	(tag) =	ssettag s2;
	_ =	strace s9  }
0x27: {  	s1 =	sld [smem:$0x3FA9]  }
0x28: {  	s2 =	sld [smem:$0x3FAA]  }
0x29: {  	s4 =	sld [smem:$0x3FAC]  }
0x2a: {  	p0 =	seq.s32 s5, $0x0;
	s5 =	sld [smem:$0x3FAD]  }
0x2b: {  	s6 =	sld [smem:$0x3FAE]  }
0x2c: {  	s7 =	sld [smem:$0x3FAF]  }
0x2d: {  	s3 =	simm.s32 $0x108;
	s8 =	sld [smem:$0x3FB0]  }
0x2e: {  	s3 =	simm.s32 @!p0 $0x1082;
	s9 =	sld [smem:$0x3FB1]  }
0x2f: {  	lr =	sadd.s32 s0, s3;
	s0 =	sld [smem:$0x3FA8]  }
0x30: {  	s3 =	sld [smem:$0x3FAB]  }
0x31: {  	[smem:$0x3FB4] =	sst s10  }
0x32: {  	s10 =	sld [smem:$0x3FB2];
	_ =	sdelay $0x3  }
0x33: {  	p0 =	seq.s32 s10, $0x1;
	s10 =	sld [smem:$0x3FB4];
	_ =	sdelay $0x3  }
0x34: {  	[smem:$0x3FB4] =	sst s10  }
0x35: {  	s10 =	sld [smem:$0x3FB3];
	_ =	sdelay $0x3  }
0x36: {  	p1 =	seq.s32 s10, $0x1;
	s10 =	sld [smem:$0x3FB4];
	_ =	sdelay $0x3  }
0x37: {  	[smem:$0x3FB4] =	sst s10  }
0x38: {  	s10 =	sld [smem:$0x3FB5]  }
0x39: {  	_ = 	snop;
	(pc) =	sbr.ind lr, $3  }
0x3a: {  	_ = 	snop  }
0x3b: {  	_ = 	snop  }
0x3c: {  	p2 =	seq.s32 s10, $0x1;
	s10 =	sld [smem:$0x3FB4]  }
0x3d: {  	_ =	shalt  }
0x3e: {  	_ =	shalt  }
0x3f: {  	_ =	shalt  }
0x40: {  	_ =	shalt  }
0x41: {  	_ =	shalt  }
0x42: {  	_ =	shalt  }
0x43: {  	_ =	shalt  }
0x44: {  	_ =	shalt  }
0x45: {  	_ =	shalt  }
0x46: {  	_ =	shalt  }
0x47: {  	_ =	shalt  }
0x48: {  	_ =	shalt  }
0x49: {  	_ =	shalt  }
0x4a: {  	_ =	shalt  }
0x4b: {  	_ =	shalt  }
0x4c: {  	_ =	shalt  }
0x4d: {  	_ =	shalt  }
0x4e: {  	_ =	shalt  }
0x4f: {  	_ =	shalt  }
0x50: {  	_ =	shalt  }
0x51: {  	_ =	shalt  }
0x52: {  	_ =	shalt  }
0x53: {  	_ =	shalt  }
0x54: {  	_ =	shalt  }
0x55: {  	_ =	shalt  }
0x56: {  	_ =	shalt  }
0x57: {  	_ =	shalt  }
0x58: {  	_ =	shalt  }
0x59: {  	_ =	shalt  }
0x5a: {  	_ =	shalt  }
0x5b: {  	_ =	shalt  }
0x5c: {  	_ =	shalt  }
0x5d: {  	_ =	shalt  }
0x5e: {  	_ =	shalt  }
0x5f: {  	_ =	shalt  }
0x60: {  	_ =	shalt  }
0x61: {  	_ =	shalt  }
0x62: {  	_ =	shalt  }
0x63: {  	_ =	shalt  }
0x64: {  	_ =	shalt  }
0x65: {  	_ =	shalt  }
0x66: {  	_ =	shalt  }
0x67: {  	_ =	shalt  }
0x68: {  	_ =	shalt  }
0x69: {  	_ =	shalt  }
0x6a: {  	_ =	shalt  }
0x6b: {  	_ =	shalt  }
0x6c: {  	_ =	shalt  }
0x6d: {  	_ =	shalt  }
0x6e: {  	_ =	shalt  }
0x6f: {  	_ =	shalt  }
0x70: {  	_ =	shalt  }
0x71: {  	_ =	shalt  }
0x72: {  	_ =	shalt  }
0x73: {  	_ =	shalt  }
0x74: {  	_ =	shalt  }
0x75: {  	_ =	shalt  }
0x76: {  	_ =	shalt  }
0x77: {  	_ =	shalt  }
0x78: {  	_ =	shalt  }
0x79: {  	_ =	shalt  }
0x7a: {  	_ =	shalt  }
0x7b: {  	_ =	shalt  }
0x7c: {  	_ =	shalt  }
0x7d: {  	_ =	shalt  }
0x7e: {  	_ =	shalt  }
0x7f: {  	_ =	shalt  }
0x80: {  	_ =	shalt  }
0x81: {  	_ =	shalt  }
0x82: {  	_ =	shalt  }
0x83: {  	_ =	shalt  }
0x84: {  	_ =	shalt  }
0x85: {  	_ =	shalt  }
0x86: {  	_ =	shalt  }
0x87: {  	_ =	shalt  }
.Lfunc_end0:
.L_simem_size_0:
called_computation.1_lowered:
.L_overlay_start_0:
0x88: {  	s2 =	sld [smem:$0x3FD9]  }
0x89: {  	s3 =	sld [smem:$0x3FFE];
	_ =	sdelay $0x1  }
0x8a: {  	s1 =	srdreg.scid  }
0x8b: {  	s0 =	sand.u32 $0x1, s1  }
0x8c: {  	s16 =	sshll.u32 s0, $0xA;
	s2 =	sadd.s32 s3, s2  }
0x8d: {  	s2 =	sadd.s32 s2, s16  }
0x8e: {  	[smem:$0x3FC0] =	sst s2  }
0x8f: {  	_ = 	snop  }
0x90: {  	(tm) =	ssettm $0x1  }
0x91: {  	s17 =	sld [smem:$0x3FFB];
	_ =	sdelay $0x3  }
0x92: {  	_ =	strace s17  }
0x93: {  	s2 =	sld [smem:$0x3FFC];
	_ =	sdelay $0x3  }
0x94: {  	_ =	strace s2  }
0x95: {  	s2 =	sld [smem:$0x3FFD];
	_ =	sdelay $0x3  }
0x96: {  	_ =	strace s2  }
0x97: {  	_ =	strace $0x8FFFFFFF  }
0x98: {  	s18 =	sld [smem:$0x3FDB];
	_ =	sdelay $0x1  }
0x99: {  	s19 =	simm.s32 $_scs_section_size  }
0x9a: {  	s4 =	simm.s32 $_size__tile_overlayer_lowered;
	s5 =	simm.s32 $_tile_overlayer_lowered  }
0x9b: {  	s22 =	simm.s32 $0x1BFF;
	s21 =	sshll.u32 s5, $0x1;
	s2 =	sadd.s32 s19, s18  }
0x9c: {  	s6 =	simm.s32 $0x0;
	s20 =	sshll.u32 s4, $0x1;
	s4 =	sadd.s32 s21, s2  }
0x9d: {  	[timem:s6], [sflag:s22] =	dma.local [hbm:s4], s20  }
0x9e: {  	_ =	swait.ge [sflag:s22], s20  }
0x9f: {  	s3 =	ssub.s32 $0x0, s20;
	[sflag:s22] =	ssyncset.done $0x0  }
0xa0: {  	[sflag:s22] =	ssyncadd.s32 s3;
	_ =	sdelay $0x1  }
0xa1: {  	s23 =	simm.s32 $0x1B8B  }
0xa2: {  	_ =	swait.ge [sflag:s23], $0x1  }
0xa3: {  	[sflag:s23] =	ssyncset.done $0x0  }
0xa4: {  	s25 =	simm.s32 $0x1B8E;
	s24 =	sld [smem:$0x3FFE];
	[sflag:s23] =	ssyncadd.s32 $0xFFFFFFFF  }
0xa5: {  	s26 =	simm.s32 $execute0_lowered;
	[smem:$0x3FD2] =	sst s25  }
0xa6: {  	s4 =	sshll.u32 s26, $0x1;
	_ =	strace $0x80000049;
	[dreg:$0x1] =	wrdreg $0xFFFFFFFF  }
0xa7: {  	s28 =	simm.s32 $_size_execute0_lowered;
	s2 =	sadd.s32 s2, s4;
	[dreg:$0x0] =	wrdreg $0x0  }
0xa8: {  	s4 =	sshll.u32 s28, $0x1;
	[dreg:$0x2] =	wrdreg s2  }
0xa9: {  	[dreg:$0x3] =	wrdreg s4  }
0xaa: {  	[dreg:$0x4] =	wrdreg $0xC0  }
0xab: {  	_ =	task [dreg:s6], $0x5FFFF  }
0xac: {  	[dreg:$0x1] =	wrdreg $0xFFFFFFFF  }
0xad: {  	[dreg:$0x0] =	wrdreg $0x60  }
0xae: {  	[dreg:$0x2] =	wrdreg s24  }
0xaf: {  	[dreg:$0x3] =	wrdreg $0x90000  }
0xb0: {  	[dreg:$0x4] =	wrdreg $0x9  }
0xb1: {  	_ =	task.clear_ibuf [dreg:s6], $0x5FFFF;
	_ =	strace $0x90000049  }
0xb2: {  	s29 =	simm.s32 $0x9;
	_ =	strace $0x8000004B  }
0xb3: {  	_ =	swait.ge [sflag:s29], $0x1  }
0xb4: {  	[sflag:s29] =	ssyncadd.s32 $0xFFFFFFFF  }
0xb5: {  	_ =	strace $0x9000004B  }
0xb6: {  	_ =	sfence  }
0xb7: {  	s30 =	sld [smem:$0x0];
	_ =	sdelay $0x2  }
0xb8: {  	s31 =	sshll.u32 s1, $0xD;
	s1 =	sshrl.u32 s1, $0x2  }
0xb9: {  	s3 =	sand.u32 $0x4000, s31;
	s1 =	sadd.s32 s1, s30  }
0xba: {  	s0 =	sor.u32 s3, s0;
	s1 =	sshll.u32 s1, $0x11  }
0xbb: {  	s0 =	sor.u32 s1, s0  }
0xbc: {  	s0 =	sadd.s32 $0x8F2B, s0  }
0xbd: {  	[sflag:s0] =	ssyncadd.remote.s32 $0x1  }
0xbe: {  	_ =	sfence.sel $0xFFFF  }
0xbf: {  	[dreg:$0x0] =	wrdreg $0xFFFFFFFF;
	(pc) =	sbr.abs _section_cstart, $3  }
0xc0: {  	[dreg:$0x1] =	wrdreg $0xFFFFFFFF  }
0xc1: {  	_ =	task.clear_ibuf [dreg:s6], $0x2FFFF;
	_ =	strace $0x9FFFFFFF  }
0xc2: {  	(tm) =	ssettm $0x7FFFFFFF  }
0xc3: {  	_ =	shalt  }
tec
execute0_lowered:
.L_overlay_start_1:
0x0: {  	(tag) =	ssettag $0x1  }
0x1: {  	s6 =	rddreg [dreg:$0x0]  }
0x2: {  	s1 =	rddreg [dreg:$0x1]  }
0x3: {  	s0 =	rddreg [dreg:$0x2];
	s2 =	simm.s32 $0x0  }
0x4: {  	s3 =	srdreg.scid;
	s18 =	simm.s32 $0x80;
	s19 =	simm.s32 $0x1  }
0x5: {  	s20 =	simm.s32 $0xF80;
	s21 =	simm.s32 $0x5000;
	s22 =	simm.s32 $0x0  }
0x6: {  	[smem:$0x7FF] =	sst s2;
	s7 =	sand.u32 $0x1, s3;
	s3 =	stileid.u32  }
0x7: {  	s12 =	sadd.s32 $0xB600, s6;
	s4 =	sadd.s32 $0x6600, s6;
	s8 =	smul.u32 $0x280000, s7  }
0x8: {  	s5 =	sadd.s32 $0x1000, s6;
	s13 =	sadd.s32 $0xAB600, s6;
	s10 =	smul.u32 $0x14000, s3  }
0x9: {  	_ =	strace $0x8000004A;
	s7 =	ssub.s32 $0x2, s7;
	s9 =	smul.u32 $0x50000, s3  }
0xa: {  	s30 =	sshll.u32 s3, $0x6;
	s28 =	sshrl.u32 s7, $0x1;
	s11 =	sadd.s32 s10, s8  }
0xb: {  	s14 =	ssub.s32 s7, s28;
	s29 =	sshrl.u32 s9, $0x2;
	s7 =	sor.u32 $0x1C02, s30  }
0xc: {  	s31 =	sshrl.u32 s8, $0x3;
	s16 =	sadd.s32 $0x140000, s8;
	s8 =	smul.u32 $0x2800, s3  }
0xd: {  	s11 =	sshrl.u32 s11, $0x3;
	s15 =	sadd.s32 s29, s1;
	s9 =	sadd.s32 s12, s31  }
0xe: {  	s17 =	sadd.s32 s10, s16;
	s16 =	sshrl.u32 s16, $0x3;
	s14 =	smax.u32 s14, $0x1  }
0xf: {  	s6 =	sadd.s32 s12, s11;
	s10 =	sadd.s32 s13, s11;
	s17 =	sshrl.u32 s17, $0x3  }
0x10: {  	s15 =	sshrl.u32 s15, $0x3;
	s11 =	sadd.s32 s12, s17;
	s12 =	sadd.s32 s12, s16  }
0x11: {  	s13 =	sadd.s32 s13, s17;
	s16 =	simm.s32 $0x2;
	s17 =	simm.s32 $0x1000  }
.LBB2_1:
0x12: {  	[spmem:s15], [sflag:s7] =	dma.local [hbm:s6], $0x2800  }
0x13: {  	_ =	swait.ge [sflag:s16], $0x2800  }
0x14: {  	[sflag:s16] =	ssyncset.done $0x0  }
0x15: {  	[sflag:s16] =	ssyncadd.s32 $0xFFFFD800  }
0x16: {  	s23 =	simm.s32 $0x0;
	[bflag:$0x0] =	sbarrier.arrive $0xFFFF  }
.LBB2_2:
0x17: {  	s24 =	sshll.u32 s23, $0xB  }
0x18: {  	s24 =	sadd.s32 s8, s24  }
0x19: {  	s24 =	sshrl.u32 s24, $0x3  }
0x1a: {  	s25 =	sadd.s32 s4, s24  }
0x1b: {  	[tilespmem:s2], [sflag:$0x2] =	stream.linear.gather [hbm4b:s25+s2], $0x800, $0x38;
	[tilespmem:$0x1D000] =	vst v63  }
0x1c: {  	_ =	swait.ge [sflag:s16], $0x800  }
0x1d: {  	[sflag:s16] =	ssyncset.done $0x0  }
0x1e: {  	s24 =	sadd.s32 s5, s24;
	s25 =	simm.s32 $0x800;
	[sflag:s16] =	ssyncadd.s32 $0xFFFFF800  }
0x1f: {  	[tilespmem:s25], [sflag:$0x2] =	stream.linear.gather [hbm4b:s24+s2], $0x800, $0x38;
	[tilespmem:$0x1D000] =	vst v63  }
0x20: {  	s26 =	simm.s32 $0x10000;
	_ =	swait.ge [sflag:s16], $0x800  }
0x21: {  	s26 =	sand.u32 $0x10000, s26;
	[sflag:s16] =	ssyncset.done $0x0  }
0x22: {  	s31 =	simm.s32 $0x80;
	s26 =	sshrl.u32 s26, $0x2;
	[sflag:s16] =	ssyncadd.s32 $0xFFFFF800  }
0x23: {  	[tilespmem:s17], [sflag:$0x1] =	stream.indirect.gather [hbm4b:s9+s31], $0x80, s2, s31, $0xb8;
	[tilespmem:$0x1D000] =	vst v63  }
0x24: {  	s28 =	simm.s32 $0x0;
	s26 =	sor.u32 $0x1000, s26  }
0x25: {  	[tilespmem:s26], [sflag:$0x1] =	stream.indirect.gather [hbm4b:s9+s18], $0x80, s31, s18, $0xb8;
	[tilespmem:$0x1D000] =	vst v63  }
0x26: {  	s30 =	sand.u32 $0x10000, s28;
	_ =	swait.ge [sflag:s19], $0x4000  }
0x27: {  	s24 =	simm.s32 $0x20000;
	s26 =	sshrl.u32 s30, $0x2;
	[sflag:s19] =	ssyncset.done $0x0  }
0x28: {  	s31 =	sand.u32 $0x10000, s24;
	s26 =	sor.u32 $0x1000, s26;
	[sflag:s19] =	ssyncadd.s32 $0xFFFFC000  }
0x29: {  	[spmem:s1] =	stream.indirect.scatter.add.f32 [tilespmem:s26], [sflag:$0x2], $0x80, s25, s18, $0xb8;
	[tilespmem:$0x1D000] =	vst v63  }
0x2a: {  	s28 =	simm.s32 $0x30000;
	s29 =	sshrl.u32 s31, $0x2;
	_ =	swait.ge [sflag:s16], $0x4000  }
0x2b: {  	s26 =	simm.s32 $0x100;
	s25 =	simm.s32 $0x880;
	[sflag:s16] =	ssyncset.done $0x0  }
.LBB2_3:
0x2c: {  	s29 =	sor.u32 $0x1000, s29;
	s30 =	sadd.s32 $0xFFFF0000, s24  }
0x2d: {  	[sflag:s16] =	ssyncadd.s32 $0xFFFFC000;
	s24 =	smov.u32 s28;
	s31 =	sadd.s32 $0x10000, s28  }
0x2e: {  	[tilespmem:s29], [sflag:$0x1] =	stream.indirect.gather [hbm4b:s9+s18], $0x80, s26, s18, $0xb8;
	[tilespmem:$0x1D000] =	vst v63  }
0x2f: {  	p0 =	sne.s32 s28, $0xF0000;
	s29 =	sand.u32 $0x10000, s30;
	_ =	swait.ge [sflag:s19], $0x4000  }
.Ltmp0:
0x30: {  	s29 =	sshrl.u32 s29, $0x2;
	[sflag:s19] =	ssyncset.done $0x0;
	(pc) =	sbr.rel @p0 .LBB2_3-.Ltmp0, $4  }
0x31: {  	s26 =	sadd.s32 $0x80, s26;
	s28 =	sor.u32 $0x1000, s29;
	[sflag:s19] =	ssyncadd.s32 $0xFFFFC000  }
0x32: {  	[spmem:s1] =	stream.indirect.scatter.add.f32 [tilespmem:s28], [sflag:$0x2], $0x80, s25, s18, $0xb8;
	[tilespmem:$0x1D000] =	vst v63  }
0x33: {  	s28 =	sand.u32 $0x10000, s24;
	s25 =	sadd.s32 $0x80, s25;
	_ =	swait.ge [sflag:s16], $0x4000  }
0x34: {  	s29 =	sshrl.u32 s28, $0x2;
	s28 =	smov.u32 s31;
	[sflag:s16] =	ssyncset.done $0x0  }
0x35: {  	s28 =	sor.u32 $0x1000, s29;
	s24 =	sadd.s32 $0xFFFF0000, s24;
	[sflag:s16] =	ssyncadd.s32 $0xFFFFC000  }
0x36: {  	[tilespmem:s28], [sflag:$0x1] =	stream.indirect.gather [hbm4b:s9+s18], $0x80, s26, s18, $0xb8;
	[tilespmem:$0x1D000] =	vst v63  }
0x37: {  	s24 =	sand.u32 $0x10000, s24;
	_ =	swait.ge [sflag:s19], $0x4000  }
0x38: {  	s24 =	sshrl.u32 s24, $0x2;
	[sflag:s19] =	ssyncset.done $0x0  }
0x39: {  	s24 =	sor.u32 $0x1000, s24;
	[sflag:s19] =	ssyncadd.s32 $0xFFFFC000  }
0x3a: {  	[spmem:s1] =	stream.indirect.scatter.add.f32 [tilespmem:s24], [sflag:$0x2], $0x80, s25, s18, $0xb8;
	[tilespmem:$0x1D000] =	vst v63  }
0x3b: {  	_ =	swait.ge [sflag:s16], $0x4000  }
0x3c: {  	[sflag:s16] =	ssyncset.done $0x0  }
0x3d: {  	[sflag:s16] =	ssyncadd.s32 $0xFFFFC000  }
0x3e: {  	s23 =	sadd.s32 $0x1, s23;
	_ =	swait.ge [sflag:s19], $0x4000  }
0x3f: {  	p0 =	sne.s32 s23, $0x5;
	[sflag:s19] =	ssyncset.done $0x0  }
.Ltmp1:
0x40: {  	[sflag:s19] =	ssyncadd.s32 $0xFFFFC000;
	(pc) =	sbr.rel @p0 .LBB2_2-.Ltmp1, $4  }
0x41: {  	[spmem:s1] =	stream.indirect.scatter.add.f32 [tilespmem:s21], [sflag:$0x2], $0x80, s20, s18, $0xb8;
	[tilespmem:$0x1D000] =	vst v63  }
0x42: {  	_ =	swait.ge [sflag:s16], $0x4000  }
0x43: {  	[sflag:s16] =	ssyncset.done $0x0  }
0x44: {  	[sflag:s16] =	ssyncadd.s32 $0xFFFFC000  }
0x45: {  	[bflag:$0x0] =	sbarrier.arrive $0xFFFF  }
0x46: {  	[hbm:s10], [sflag:s7] =	dma.local [spmem:s15], $0x2800  }
0x47: {  	_ =	swait.ge [sflag:s16], $0x2800  }
0x48: {  	[sflag:s16] =	ssyncset.done $0x0  }
0x49: {  	[sflag:s16] =	ssyncadd.s32 $0xFFFFD800  }
0x4a: {  	[spmem:s15], [sflag:s7] =	dma.local [hbm:s11], $0x2800  }
0x4b: {  	_ =	swait.ge [sflag:s16], $0x2800  }
0x4c: {  	[sflag:s16] =	ssyncset.done $0x0  }
0x4d: {  	[sflag:s16] =	ssyncadd.s32 $0xFFFFD800  }
0x4e: {  	s23 =	simm.s32 $0x0;
	[bflag:$0x0] =	sbarrier.arrive $0xFFFF  }
.LBB2_6:
0x4f: {  	s24 =	sshll.u32 s23, $0xB  }
0x50: {  	s24 =	sadd.s32 s8, s24  }
0x51: {  	s24 =	sshrl.u32 s24, $0x3  }
0x52: {  	s25 =	sadd.s32 s4, s24  }
0x53: {  	[tilespmem:s2], [sflag:$0x2] =	stream.linear.gather [hbm4b:s25+s2], $0x800, $0x38;
	[tilespmem:$0x1D000] =	vst v63  }
0x54: {  	_ =	swait.ge [sflag:s16], $0x800  }
0x55: {  	[sflag:s16] =	ssyncset.done $0x0  }
0x56: {  	s24 =	sadd.s32 s5, s24;
	s25 =	simm.s32 $0x800;
	[sflag:s16] =	ssyncadd.s32 $0xFFFFF800  }
0x57: {  	[tilespmem:s25], [sflag:$0x2] =	stream.linear.gather [hbm4b:s24+s2], $0x800, $0x38;
	[tilespmem:$0x1D000] =	vst v63  }
0x58: {  	s26 =	simm.s32 $0x10000;
	_ =	swait.ge [sflag:s16], $0x800  }
0x59: {  	s26 =	sand.u32 $0x10000, s26;
	[sflag:s16] =	ssyncset.done $0x0  }
0x5a: {  	s31 =	simm.s32 $0x80;
	s26 =	sshrl.u32 s26, $0x2;
	[sflag:s16] =	ssyncadd.s32 $0xFFFFF800  }
0x5b: {  	[tilespmem:s17], [sflag:$0x1] =	stream.indirect.gather [hbm4b:s12+s31], $0x80, s2, s31, $0xb8;
	[tilespmem:$0x1D000] =	vst v63  }
0x5c: {  	s28 =	simm.s32 $0x0;
	s26 =	sor.u32 $0x1000, s26  }
0x5d: {  	[tilespmem:s26], [sflag:$0x1] =	stream.indirect.gather [hbm4b:s12+s18], $0x80, s31, s18, $0xb8;
	[tilespmem:$0x1D000] =	vst v63  }
0x5e: {  	s30 =	sand.u32 $0x10000, s28;
	_ =	swait.ge [sflag:s19], $0x4000  }
0x5f: {  	s24 =	simm.s32 $0x20000;
	s26 =	sshrl.u32 s30, $0x2;
	[sflag:s19] =	ssyncset.done $0x0  }
0x60: {  	s31 =	sand.u32 $0x10000, s24;
	s26 =	sor.u32 $0x1000, s26;
	[sflag:s19] =	ssyncadd.s32 $0xFFFFC000  }
0x61: {  	[spmem:s1] =	stream.indirect.scatter.add.f32 [tilespmem:s26], [sflag:$0x2], $0x80, s25, s18, $0xb8;
	[tilespmem:$0x1D000] =	vst v63  }
0x62: {  	s28 =	simm.s32 $0x30000;
	s29 =	sshrl.u32 s31, $0x2;
	_ =	swait.ge [sflag:s16], $0x4000  }
0x63: {  	s26 =	simm.s32 $0x100;
	s25 =	simm.s32 $0x880;
	[sflag:s16] =	ssyncset.done $0x0  }
.LBB2_7:
0x64: {  	s29 =	sor.u32 $0x1000, s29;
	s30 =	sadd.s32 $0xFFFF0000, s24  }
0x65: {  	[sflag:s16] =	ssyncadd.s32 $0xFFFFC000;
	s24 =	smov.u32 s28;
	s31 =	sadd.s32 $0x10000, s28  }
0x66: {  	[tilespmem:s29], [sflag:$0x1] =	stream.indirect.gather [hbm4b:s12+s18], $0x80, s26, s18, $0xb8;
	[tilespmem:$0x1D000] =	vst v63  }
0x67: {  	p0 =	sne.s32 s28, $0xF0000;
	s29 =	sand.u32 $0x10000, s30;
	_ =	swait.ge [sflag:s19], $0x4000  }
.Ltmp2:
0x68: {  	s29 =	sshrl.u32 s29, $0x2;
	[sflag:s19] =	ssyncset.done $0x0;
	(pc) =	sbr.rel @p0 .LBB2_7-.Ltmp2, $4  }
0x69: {  	s26 =	sadd.s32 $0x80, s26;
	s28 =	sor.u32 $0x1000, s29;
	[sflag:s19] =	ssyncadd.s32 $0xFFFFC000  }
0x6a: {  	[spmem:s1] =	stream.indirect.scatter.add.f32 [tilespmem:s28], [sflag:$0x2], $0x80, s25, s18, $0xb8;
	[tilespmem:$0x1D000] =	vst v63  }
0x6b: {  	s28 =	sand.u32 $0x10000, s24;
	s25 =	sadd.s32 $0x80, s25;
	_ =	swait.ge [sflag:s16], $0x4000  }
0x6c: {  	s29 =	sshrl.u32 s28, $0x2;
	s28 =	smov.u32 s31;
	[sflag:s16] =	ssyncset.done $0x0  }
0x6d: {  	s28 =	sor.u32 $0x1000, s29;
	s24 =	sadd.s32 $0xFFFF0000, s24;
	[sflag:s16] =	ssyncadd.s32 $0xFFFFC000  }
0x6e: {  	[tilespmem:s28], [sflag:$0x1] =	stream.indirect.gather [hbm4b:s12+s18], $0x80, s26, s18, $0xb8;
	[tilespmem:$0x1D000] =	vst v63  }
0x6f: {  	s24 =	sand.u32 $0x10000, s24;
	_ =	swait.ge [sflag:s19], $0x4000  }
0x70: {  	s24 =	sshrl.u32 s24, $0x2;
	[sflag:s19] =	ssyncset.done $0x0  }
0x71: {  	s24 =	sor.u32 $0x1000, s24;
	[sflag:s19] =	ssyncadd.s32 $0xFFFFC000  }
0x72: {  	[spmem:s1] =	stream.indirect.scatter.add.f32 [tilespmem:s24], [sflag:$0x2], $0x80, s25, s18, $0xb8;
	[tilespmem:$0x1D000] =	vst v63  }
0x73: {  	_ =	swait.ge [sflag:s16], $0x4000  }
0x74: {  	[sflag:s16] =	ssyncset.done $0x0  }
0x75: {  	[sflag:s16] =	ssyncadd.s32 $0xFFFFC000  }
0x76: {  	s23 =	sadd.s32 $0x1, s23;
	_ =	swait.ge [sflag:s19], $0x4000  }
0x77: {  	p0 =	sne.s32 s23, $0x5;
	[sflag:s19] =	ssyncset.done $0x0  }
.Ltmp3:
0x78: {  	[sflag:s19] =	ssyncadd.s32 $0xFFFFC000;
	(pc) =	sbr.rel @p0 .LBB2_6-.Ltmp3, $4  }
0x79: {  	[spmem:s1] =	stream.indirect.scatter.add.f32 [tilespmem:s21], [sflag:$0x2], $0x80, s20, s18, $0xb8;
	[tilespmem:$0x1D000] =	vst v63  }
0x7a: {  	_ =	swait.ge [sflag:s16], $0x4000  }
0x7b: {  	[sflag:s16] =	ssyncset.done $0x0  }
0x7c: {  	[sflag:s16] =	ssyncadd.s32 $0xFFFFC000  }
0x7d: {  	s22 =	sadd.s32 $0x1, s22  }
0x7e: {  	p0 =	sne.s32 s22, s14  }
.Ltmp4:
0x7f: {  	[bflag:$0x0] =	sbarrier.arrive $0xFFFF;
	(pc) =	sbr.rel @p0 .LBB2_1-.Ltmp4, $4  }
0x80: {  	[hbm:s13], [sflag:s7] =	dma.local [spmem:s15], $0x2800  }
0x81: {  	_ =	swait.ge [sflag:s16], $0x2800  }
0x82: {  	[sflag:s16] =	ssyncset.done $0x0  }
0x83: {  	[sflag:s16] =	ssyncadd.s32 $0xFFFFD800  }
0x84: {  	_ =	sfence.sel $0x180000  }
0x85: {  	[bflag:$0x0] =	sbarrier.arrive $0xFFFF  }
0x86: {  	p0 =	sne.s32 s3, $0x0;
	_ =	strace $0x9000004A  }
0x87: {  	s0 =	sadd.s32 @!p0 $0x100000, s0;
	[bflag:$0x2] =	sbarrier.arrive $0xFFFF  }
0x88: {  	[sflag:s0] =	ssyncadd.tile.s32 @!p0 $0x1;
	_ =	shalt  }
.Lfunc_end2:
_tile_overlayer_lowered:
.L_overlay_start_2:
0x89: {  	(tag) =	ssettag $0x2  }
0x8a: {  	s0 =	rddreg [dreg:$0x0];
	s2 =	stileid.u32  }
0x8b: {  	s1 =	rddreg [dreg:$0x1];
	p0 =	sne.s32 s2, $0x0  }
0x8c: {  	s3 =	rddreg [dreg:$0x2];
	[bflag:$0x3] =	sbarrier.arrive $0xFFFF;
	s2 =	simm.s32 @!p0 $0x1C02  }
0x8d: {  	[timem:s3], [sflag:s2] =	dma.local @!p0 [hbm:s0], s1  }
0x8e: {  	s0 =	simm.s32 @!p0 $0x2  }
0x8f: {  	_ =	swait.ge @!p0 [sflag:s0], s1  }
0x90: {  	s1 =	ssub.s32 @!p0 $0x0, s1;
	[sflag:s0] =	ssyncset.done @!p0 $0x0  }
0x91: {  	[sflag:s0] =	ssyncadd.s32 @!p0 s1  }
0x92: {  	[bflag:$0x3] =	sbarrier.arrive $0xFFFF  }
0x93: {  	_ =	shalt  }

// kernel: kernel.14.cloned.1.call-start
scs
__scs_entry_jumppad:
0x0: {  	(pc) =	sbr.rel $0x88, $3  }
0x1: {  	(tag) =	ssettag $0x0;
	lr =	simm.s32 $0x1  }
0x2: {  	[smem:$0x3F99] =	sst lr;
	_ =	strace $0xD0000000  }
0x3: {  	_ = 	snop  }
0x4: {  	_ = 	snop  }
0x5: {  	_ = 	snop  }
0x6: {  	_ = 	snop  }
0x7: {  	_ = 	snop  }
__scs_overlays_trampoline_lowered:
0x8: {  	[smem:$0x3FA8] =	sst s0  }
0x9: {  	[smem:$0x3FA9] =	sst s1  }
0xa: {  	[smem:$0x3FAA] =	sst s2  }
0xb: {  	[smem:$0x3FAB] =	sst s3  }
0xc: {  	[smem:$0x3FAC] =	sst s4  }
0xd: {  	[smem:$0x3FAD] =	sst s5  }
0xe: {  	[smem:$0x3FAE] =	sst s6  }
0xf: {  	[smem:$0x3FAF] =	sst s7  }
0x10: {  	[smem:$0x3FB0] =	sst s8  }
0x11: {  	[smem:$0x3FB1] =	sst s9;
	s0 =	simm.s32 @!p0 $0x0  }
0x12: {  	s1 =	sld [smem:$0x3F97];
	s0 =	simm.s32 @p0 $0x1  }
0x13: {  	[smem:$0x3FB2] =	sst s0;
	s0 =	simm.s32 @!p1 $0x0  }
0x14: {  	s2 =	sld [smem:$0x3F96];
	s0 =	simm.s32 @p1 $0x1  }
0x15: {  	[smem:$0x3FB3] =	sst s0;
	s0 =	simm.s32 @!p2 $0x0  }
0x16: {  	s3 =	sld [smem:$0x3FDB];
	s0 =	simm.s32 @p2 $0x1  }
0x17: {  	s4 =	simm.s32 $0x1BF5;
	[smem:$0x3FB5] =	sst s0  }
0x18: {  	s0 =	sld [smem:$0x3F98];
	_ =	swait.ge [sflag:s4], $0x0  }
0x19: {  	s7 =	sld [smem:$0x3F99]  }
0x1a: {  	s8 =	sadd.s32 $0xFFFFE003, lr  }
0x1b: {  	s9 =	sadd.s32 $0xFFFFFEF7, lr;
	s5 =	simm.s32 $0xFFFFFFFF;
	p2 =	slt.u32 s8, $0xFFFFF086  }
0x1c: {  	p1 =	slt.u32 s9, $0xF7A;
	s5 =	simm.s32 @!p2 $0x0  }
0x1d: {  	s5 =	simm.s32 @p1 $0x1;
	p0 =	seq.s32 s7, s2  }
0x1e: {  	s7 =	smul.u32 @!p0 $0xF7A, s2;
	p2 =	seq.s32 @!p0 s5, $0x0  }
0x1f: {  	s9 =	smul.u32 $0xF7A, s1;
	s8 =	simm.s32 @!p0 $0x1BF5;
	p2 =	por !p2, p0  }
0x20: {  	[sflag:s8] =	ssyncset.s32 @!p0 $0xFFFFF086;
	s6 =	sadd.s32 @!p0 s3, s7;
	s7 =	simm.s32 @!p0 $0x108  }
0x21: {  	s3 =	sadd.s32 s3, s9;
	s6 =	sadd.s32 @!p0 $0x88, s6;
	s7 =	simm.s32 @p2 $0x1082  }
0x22: {  	[simem:s7], [sflag:s8] =	dma.local @!p0 [hbm:s6], $0xF7A  }
0x23: {  	s9 =	sor.u32 $0xD0000000, s2;
	s6 =	simm.s32 $0x108;
	_ =	swait.ge @!p0 [sflag:s8], $0x0  }
0x24: {  	s3 =	sadd.s32 $0x88, s3;
	s6 =	simm.s32 @!p1 $0x1082;
	[sflag:s4] =	ssyncset.s32 $0xFFFFF086  }
0x25: {  	[simem:s6], [sflag:s4] =	dma.local [hbm:s3], $0xF7A  }
0x26: {  	[smem:$0x3F99] =	sst s1;
	(tag) =	ssettag s2;
	_ =	strace s9  }
0x27: {  	s1 =	sld [smem:$0x3FA9]  }
0x28: {  	s2 =	sld [smem:$0x3FAA]  }
0x29: {  	s4 =	sld [smem:$0x3FAC]  }
0x2a: {  	p0 =	seq.s32 s5, $0x0;
	s5 =	sld [smem:$0x3FAD]  }
0x2b: {  	s6 =	sld [smem:$0x3FAE]  }
0x2c: {  	s7 =	sld [smem:$0x3FAF]  }
0x2d: {  	s3 =	simm.s32 $0x108;
	s8 =	sld [smem:$0x3FB0]  }
0x2e: {  	s3 =	simm.s32 @!p0 $0x1082;
	s9 =	sld [smem:$0x3FB1]  }
0x2f: {  	lr =	sadd.s32 s0, s3;
	s0 =	sld [smem:$0x3FA8]  }
0x30: {  	s3 =	sld [smem:$0x3FAB]  }
0x31: {  	[smem:$0x3FB4] =	sst s10  }
0x32: {  	s10 =	sld [smem:$0x3FB2];
	_ =	sdelay $0x3  }
0x33: {  	p0 =	seq.s32 s10, $0x1;
	s10 =	sld [smem:$0x3FB4];
	_ =	sdelay $0x3  }
0x34: {  	[smem:$0x3FB4] =	sst s10  }
0x35: {  	s10 =	sld [smem:$0x3FB3];
	_ =	sdelay $0x3  }
0x36: {  	p1 =	seq.s32 s10, $0x1;
	s10 =	sld [smem:$0x3FB4];
	_ =	sdelay $0x3  }
0x37: {  	[smem:$0x3FB4] =	sst s10  }
0x38: {  	s10 =	sld [smem:$0x3FB5]  }
0x39: {  	_ = 	snop;
	(pc) =	sbr.ind lr, $3  }
0x3a: {  	_ = 	snop  }
0x3b: {  	_ = 	snop  }
0x3c: {  	p2 =	seq.s32 s10, $0x1;
	s10 =	sld [smem:$0x3FB4]  }
0x3d: {  	_ =	shalt  }
0x3e: {  	_ =	shalt  }
0x3f: {  	_ =	shalt  }
0x40: {  	_ =	shalt  }
0x41: {  	_ =	shalt  }
0x42: {  	_ =	shalt  }
0x43: {  	_ =	shalt  }
0x44: {  	_ =	shalt  }
0x45: {  	_ =	shalt  }
0x46: {  	_ =	shalt  }
0x47: {  	_ =	shalt  }
0x48: {  	_ =	shalt  }
0x49: {  	_ =	shalt  }
0x4a: {  	_ =	shalt  }
0x4b: {  	_ =	shalt  }
0x4c: {  	_ =	shalt  }
0x4d: {  	_ =	shalt  }
0x4e: {  	_ =	shalt  }
0x4f: {  	_ =	shalt  }
0x50: {  	_ =	shalt  }
0x51: {  	_ =	shalt  }
0x52: {  	_ =	shalt  }
0x53: {  	_ =	shalt  }
0x54: {  	_ =	shalt  }
0x55: {  	_ =	shalt  }
0x56: {  	_ =	shalt  }
0x57: {  	_ =	shalt  }
0x58: {  	_ =	shalt  }
0x59: {  	_ =	shalt  }
0x5a: {  	_ =	shalt  }
0x5b: {  	_ =	shalt  }
0x5c: {  	_ =	shalt  }
0x5d: {  	_ =	shalt  }
0x5e: {  	_ =	shalt  }
0x5f: {  	_ =	shalt  }
0x60: {  	_ =	shalt  }
0x61: {  	_ =	shalt  }
0x62: {  	_ =	shalt  }
0x63: {  	_ =	shalt  }
0x64: {  	_ =	shalt  }
0x65: {  	_ =	shalt  }
0x66: {  	_ =	shalt  }
0x67: {  	_ =	shalt  }
0x68: {  	_ =	shalt  }
0x69: {  	_ =	shalt  }
0x6a: {  	_ =	shalt  }
0x6b: {  	_ =	shalt  }
0x6c: {  	_ =	shalt  }
0x6d: {  	_ =	shalt  }
0x6e: {  	_ =	shalt  }
0x6f: {  	_ =	shalt  }
0x70: {  	_ =	shalt  }
0x71: {  	_ =	shalt  }
0x72: {  	_ =	shalt  }
0x73: {  	_ =	shalt  }
0x74: {  	_ =	shalt  }
0x75: {  	_ =	shalt  }
0x76: {  	_ =	shalt  }
0x77: {  	_ =	shalt  }
0x78: {  	_ =	shalt  }
0x79: {  	_ =	shalt  }
0x7a: {  	_ =	shalt  }
0x7b: {  	_ =	shalt  }
0x7c: {  	_ =	shalt  }
0x7d: {  	_ =	shalt  }
0x7e: {  	_ =	shalt  }
0x7f: {  	_ =	shalt  }
0x80: {  	_ =	shalt  }
0x81: {  	_ =	shalt  }
0x82: {  	_ =	shalt  }
0x83: {  	_ =	shalt  }
0x84: {  	_ =	shalt  }
0x85: {  	_ =	shalt  }
0x86: {  	_ =	shalt  }
0x87: {  	_ =	shalt  }
.Lfunc_end0:
.L_simem_size_0:
called_computation.2_lowered:
.L_overlay_start_0:
0x88: {  	s2 =	sld [smem:$0x3FD9]  }
0x89: {  	s3 =	sld [smem:$0x3FFE];
	_ =	sdelay $0x1  }
0x8a: {  	s1 =	srdreg.scid  }
0x8b: {  	s0 =	sand.u32 $0x1, s1  }
0x8c: {  	s16 =	sshll.u32 s0, $0xA;
	s2 =	sadd.s32 s3, s2  }
0x8d: {  	s2 =	sadd.s32 s2, s16  }
0x8e: {  	[smem:$0x3FC0] =	sst s2  }
0x8f: {  	_ = 	snop  }
0x90: {  	(tm) =	ssettm $0x1  }
0x91: {  	s17 =	sld [smem:$0x3FFB];
	_ =	sdelay $0x3  }
0x92: {  	_ =	strace s17  }
0x93: {  	s2 =	sld [smem:$0x3FFC];
	_ =	sdelay $0x3  }
0x94: {  	_ =	strace s2  }
0x95: {  	s2 =	sld [smem:$0x3FFD];
	_ =	sdelay $0x3  }
0x96: {  	_ =	strace s2  }
0x97: {  	_ =	strace $0x8FFFFFFF  }
0x98: {  	s18 =	sld [smem:$0x3FDB];
	_ =	sdelay $0x1  }
0x99: {  	s19 =	simm.s32 $_scs_section_size  }
0x9a: {  	s4 =	simm.s32 $_size__tile_overlayer_lowered;
	s5 =	simm.s32 $_tile_overlayer_lowered  }
0x9b: {  	s22 =	simm.s32 $0x1BFF;
	s21 =	sshll.u32 s5, $0x1;
	s2 =	sadd.s32 s19, s18  }
0x9c: {  	s6 =	simm.s32 $0x0;
	s20 =	sshll.u32 s4, $0x1;
	s4 =	sadd.s32 s21, s2  }
0x9d: {  	[timem:s6], [sflag:s22] =	dma.local [hbm:s4], s20  }
0x9e: {  	_ =	swait.ge [sflag:s22], s20  }
0x9f: {  	s3 =	ssub.s32 $0x0, s20;
	[sflag:s22] =	ssyncset.done $0x0  }
0xa0: {  	[sflag:s22] =	ssyncadd.s32 s3;
	_ =	sdelay $0x1  }
0xa1: {  	s23 =	simm.s32 $0x1B8B  }
0xa2: {  	_ =	swait.ge [sflag:s23], $0x1  }
0xa3: {  	[sflag:s23] =	ssyncset.done $0x0  }
0xa4: {  	s25 =	simm.s32 $0x1B8E;
	s24 =	sld [smem:$0x3FFE];
	[sflag:s23] =	ssyncadd.s32 $0xFFFFFFFF  }
0xa5: {  	s26 =	simm.s32 $execute0_lowered;
	[smem:$0x3FD2] =	sst s25  }
0xa6: {  	s4 =	sshll.u32 s26, $0x1;
	_ =	strace $0x8000004C;
	[dreg:$0x1] =	wrdreg $0xFFFFFFFF  }
0xa7: {  	s28 =	simm.s32 $_size_execute0_lowered;
	s2 =	sadd.s32 s2, s4;
	[dreg:$0x0] =	wrdreg $0x0  }
0xa8: {  	s4 =	sshll.u32 s28, $0x1;
	[dreg:$0x2] =	wrdreg s2  }
0xa9: {  	[dreg:$0x3] =	wrdreg s4  }
0xaa: {  	[dreg:$0x4] =	wrdreg $0xC0  }
0xab: {  	_ =	task [dreg:s6], $0x5FFFF  }
0xac: {  	[dreg:$0x1] =	wrdreg $0xFFFFFFFF  }
0xad: {  	[dreg:$0x0] =	wrdreg $0x60  }
0xae: {  	[dreg:$0x2] =	wrdreg s24  }
0xaf: {  	[dreg:$0x3] =	wrdreg $0x90000  }
0xb0: {  	[dreg:$0x4] =	wrdreg $0x9  }
0xb1: {  	_ =	task.clear_ibuf [dreg:s6], $0x5FFFF;
	_ =	strace $0x9000004C  }
0xb2: {  	s29 =	simm.s32 $0x9;
	_ =	strace $0x8000004E  }
0xb3: {  	_ =	swait.ge [sflag:s29], $0x1  }
0xb4: {  	[sflag:s29] =	ssyncadd.s32 $0xFFFFFFFF  }
0xb5: {  	_ =	strace $0x9000004E  }
0xb6: {  	_ =	sfence  }
0xb7: {  	s30 =	sld [smem:$0x0];
	_ =	sdelay $0x2  }
0xb8: {  	s31 =	sshll.u32 s1, $0xD;
	s1 =	sshrl.u32 s1, $0x2  }
0xb9: {  	s3 =	sand.u32 $0x4000, s31;
	s1 =	sadd.s32 s1, s30  }
0xba: {  	s0 =	sor.u32 s3, s0;
	s1 =	sshll.u32 s1, $0x11  }
0xbb: {  	s0 =	sor.u32 s1, s0  }
0xbc: {  	s0 =	sadd.s32 $0x8F2B, s0  }
0xbd: {  	[sflag:s0] =	ssyncadd.remote.s32 $0x1  }
0xbe: {  	_ =	sfence.sel $0xFFFF  }
0xbf: {  	[dreg:$0x0] =	wrdreg $0xFFFFFFFF;
	(pc) =	sbr.abs _section_cstart, $3  }
0xc0: {  	[dreg:$0x1] =	wrdreg $0xFFFFFFFF  }
0xc1: {  	_ =	task.clear_ibuf [dreg:s6], $0x2FFFF;
	_ =	strace $0x9FFFFFFF  }
0xc2: {  	(tm) =	ssettm $0x7FFFFFFF  }
0xc3: {  	_ =	shalt  }
tec
execute0_lowered:
.L_overlay_start_1:
0x0: {  	(tag) =	ssettag $0x1  }
0x1: {  	s6 =	rddreg [dreg:$0x0]  }
0x2: {  	s1 =	rddreg [dreg:$0x1]  }
0x3: {  	s0 =	rddreg [dreg:$0x2];
	s2 =	simm.s32 $0x0  }
0x4: {  	s3 =	srdreg.scid;
	s18 =	simm.s32 $0x80;
	s19 =	simm.s32 $0x1  }
0x5: {  	s20 =	simm.s32 $0xF80;
	s21 =	simm.s32 $0x5000;
	s22 =	simm.s32 $0x0  }
0x6: {  	[smem:$0x7FF] =	sst s2;
	s7 =	sand.u32 $0x1, s3;
	s3 =	stileid.u32  }
0x7: {  	s12 =	sadd.s32 $0xB600, s6;
	s4 =	sadd.s32 $0x6600, s6;
	s8 =	smul.u32 $0x280000, s7  }
0x8: {  	s5 =	sadd.s32 $0x1000, s6;
	s13 =	sadd.s32 $0xAB600, s6;
	s10 =	smul.u32 $0x14000, s3  }
0x9: {  	_ =	strace $0x8000004D;
	s7 =	ssub.s32 $0x2, s7;
	s9 =	smul.u32 $0x50000, s3  }
0xa: {  	s30 =	sshll.u32 s3, $0x6;
	s28 =	sshrl.u32 s7, $0x1;
	s11 =	sadd.s32 s10, s8  }
0xb: {  	s14 =	ssub.s32 s7, s28;
	s29 =	sshrl.u32 s9, $0x2;
	s7 =	sor.u32 $0x1C02, s30  }
0xc: {  	s31 =	sshrl.u32 s8, $0x3;
	s16 =	sadd.s32 $0x140000, s8;
	s8 =	smul.u32 $0x2800, s3  }
0xd: {  	s11 =	sshrl.u32 s11, $0x3;
	s15 =	sadd.s32 s29, s1;
	s9 =	sadd.s32 s12, s31  }
0xe: {  	s17 =	sadd.s32 s10, s16;
	s16 =	sshrl.u32 s16, $0x3;
	s14 =	smax.u32 s14, $0x1  }
0xf: {  	s6 =	sadd.s32 s12, s11;
	s10 =	sadd.s32 s13, s11;
	s17 =	sshrl.u32 s17, $0x3  }
0x10: {  	s15 =	sshrl.u32 s15, $0x3;
	s11 =	sadd.s32 s12, s17;
	s12 =	sadd.s32 s12, s16  }
0x11: {  	s13 =	sadd.s32 s13, s17;
	s16 =	simm.s32 $0x2;
	s17 =	simm.s32 $0x1000  }
.LBB2_1:
0x12: {  	[spmem:s15], [sflag:s7] =	dma.local [hbm:s6], $0x2800  }
0x13: {  	_ =	swait.ge [sflag:s16], $0x2800  }
0x14: {  	[sflag:s16] =	ssyncset.done $0x0  }
0x15: {  	[sflag:s16] =	ssyncadd.s32 $0xFFFFD800  }
0x16: {  	s23 =	simm.s32 $0x0;
	[bflag:$0x0] =	sbarrier.arrive $0xFFFF  }
.LBB2_2:
0x17: {  	s24 =	sshll.u32 s23, $0xB  }
0x18: {  	s24 =	sadd.s32 s8, s24  }
0x19: {  	s24 =	sshrl.u32 s24, $0x3  }
0x1a: {  	s25 =	sadd.s32 s4, s24  }
0x1b: {  	[tilespmem:s2], [sflag:$0x2] =	stream.linear.gather [hbm4b:s25+s2], $0x800, $0x38;
	[tilespmem:$0x1D000] =	vst v63  }
0x1c: {  	_ =	swait.ge [sflag:s16], $0x800  }
0x1d: {  	[sflag:s16] =	ssyncset.done $0x0  }
0x1e: {  	s24 =	sadd.s32 s5, s24;
	s25 =	simm.s32 $0x800;
	[sflag:s16] =	ssyncadd.s32 $0xFFFFF800  }
0x1f: {  	[tilespmem:s25], [sflag:$0x2] =	stream.linear.gather [hbm4b:s24+s2], $0x800, $0x38;
	[tilespmem:$0x1D000] =	vst v63  }
0x20: {  	s26 =	simm.s32 $0x10000;
	_ =	swait.ge [sflag:s16], $0x800  }
0x21: {  	s26 =	sand.u32 $0x10000, s26;
	[sflag:s16] =	ssyncset.done $0x0  }
0x22: {  	s31 =	simm.s32 $0x80;
	s26 =	sshrl.u32 s26, $0x2;
	[sflag:s16] =	ssyncadd.s32 $0xFFFFF800  }
0x23: {  	[tilespmem:s17], [sflag:$0x1] =	stream.indirect.gather [hbm4b:s9+s31], $0x80, s2, s31, $0xb8;
	[tilespmem:$0x1D000] =	vst v63  }
0x24: {  	s28 =	simm.s32 $0x0;
	s26 =	sor.u32 $0x1000, s26  }
0x25: {  	[tilespmem:s26], [sflag:$0x1] =	stream.indirect.gather [hbm4b:s9+s18], $0x80, s31, s18, $0xb8;
	[tilespmem:$0x1D000] =	vst v63  }
0x26: {  	s30 =	sand.u32 $0x10000, s28;
	_ =	swait.ge [sflag:s19], $0x4000  }
0x27: {  	s24 =	simm.s32 $0x20000;
	s26 =	sshrl.u32 s30, $0x2;
	[sflag:s19] =	ssyncset.done $0x0  }
0x28: {  	s31 =	sand.u32 $0x10000, s24;
	s26 =	sor.u32 $0x1000, s26;
	[sflag:s19] =	ssyncadd.s32 $0xFFFFC000  }
0x29: {  	[spmem:s1] =	stream.indirect.scatter.add.f32 [tilespmem:s26], [sflag:$0x2], $0x80, s25, s18, $0xb8;
	[tilespmem:$0x1D000] =	vst v63  }
0x2a: {  	s28 =	simm.s32 $0x30000;
	s29 =	sshrl.u32 s31, $0x2;
	_ =	swait.ge [sflag:s16], $0x4000  }
0x2b: {  	s26 =	simm.s32 $0x100;
	s25 =	simm.s32 $0x880;
	[sflag:s16] =	ssyncset.done $0x0  }
.LBB2_3:
0x2c: {  	s29 =	sor.u32 $0x1000, s29;
	s30 =	sadd.s32 $0xFFFF0000, s24  }
0x2d: {  	[sflag:s16] =	ssyncadd.s32 $0xFFFFC000;
	s24 =	smov.u32 s28;
	s31 =	sadd.s32 $0x10000, s28  }
0x2e: {  	[tilespmem:s29], [sflag:$0x1] =	stream.indirect.gather [hbm4b:s9+s18], $0x80, s26, s18, $0xb8;
	[tilespmem:$0x1D000] =	vst v63  }
0x2f: {  	p0 =	sne.s32 s28, $0xF0000;
	s29 =	sand.u32 $0x10000, s30;
	_ =	swait.ge [sflag:s19], $0x4000  }
.Ltmp0:
0x30: {  	s29 =	sshrl.u32 s29, $0x2;
	[sflag:s19] =	ssyncset.done $0x0;
	(pc) =	sbr.rel @p0 .LBB2_3-.Ltmp0, $4  }
0x31: {  	s26 =	sadd.s32 $0x80, s26;
	s28 =	sor.u32 $0x1000, s29;
	[sflag:s19] =	ssyncadd.s32 $0xFFFFC000  }
0x32: {  	[spmem:s1] =	stream.indirect.scatter.add.f32 [tilespmem:s28], [sflag:$0x2], $0x80, s25, s18, $0xb8;
	[tilespmem:$0x1D000] =	vst v63  }
0x33: {  	s28 =	sand.u32 $0x10000, s24;
	s25 =	sadd.s32 $0x80, s25;
	_ =	swait.ge [sflag:s16], $0x4000  }
0x34: {  	s29 =	sshrl.u32 s28, $0x2;
	s28 =	smov.u32 s31;
	[sflag:s16] =	ssyncset.done $0x0  }
0x35: {  	s28 =	sor.u32 $0x1000, s29;
	s24 =	sadd.s32 $0xFFFF0000, s24;
	[sflag:s16] =	ssyncadd.s32 $0xFFFFC000  }
0x36: {  	[tilespmem:s28], [sflag:$0x1] =	stream.indirect.gather [hbm4b:s9+s18], $0x80, s26, s18, $0xb8;
	[tilespmem:$0x1D000] =	vst v63  }
0x37: {  	s24 =	sand.u32 $0x10000, s24;
	_ =	swait.ge [sflag:s19], $0x4000  }
0x38: {  	s24 =	sshrl.u32 s24, $0x2;
	[sflag:s19] =	ssyncset.done $0x0  }
0x39: {  	s24 =	sor.u32 $0x1000, s24;
	[sflag:s19] =	ssyncadd.s32 $0xFFFFC000  }
0x3a: {  	[spmem:s1] =	stream.indirect.scatter.add.f32 [tilespmem:s24], [sflag:$0x2], $0x80, s25, s18, $0xb8;
	[tilespmem:$0x1D000] =	vst v63  }
0x3b: {  	_ =	swait.ge [sflag:s16], $0x4000  }
0x3c: {  	[sflag:s16] =	ssyncset.done $0x0  }
0x3d: {  	[sflag:s16] =	ssyncadd.s32 $0xFFFFC000  }
0x3e: {  	s23 =	sadd.s32 $0x1, s23;
	_ =	swait.ge [sflag:s19], $0x4000  }
0x3f: {  	p0 =	sne.s32 s23, $0x5;
	[sflag:s19] =	ssyncset.done $0x0  }
.Ltmp1:
0x40: {  	[sflag:s19] =	ssyncadd.s32 $0xFFFFC000;
	(pc) =	sbr.rel @p0 .LBB2_2-.Ltmp1, $4  }
0x41: {  	[spmem:s1] =	stream.indirect.scatter.add.f32 [tilespmem:s21], [sflag:$0x2], $0x80, s20, s18, $0xb8;
	[tilespmem:$0x1D000] =	vst v63  }
0x42: {  	_ =	swait.ge [sflag:s16], $0x4000  }
0x43: {  	[sflag:s16] =	ssyncset.done $0x0  }
0x44: {  	[sflag:s16] =	ssyncadd.s32 $0xFFFFC000  }
0x45: {  	[bflag:$0x0] =	sbarrier.arrive $0xFFFF  }
0x46: {  	[hbm:s10], [sflag:s7] =	dma.local [spmem:s15], $0x2800  }
0x47: {  	_ =	swait.ge [sflag:s16], $0x2800  }
0x48: {  	[sflag:s16] =	ssyncset.done $0x0  }
0x49: {  	[sflag:s16] =	ssyncadd.s32 $0xFFFFD800  }
0x4a: {  	[spmem:s15], [sflag:s7] =	dma.local [hbm:s11], $0x2800  }
0x4b: {  	_ =	swait.ge [sflag:s16], $0x2800  }
0x4c: {  	[sflag:s16] =	ssyncset.done $0x0  }
0x4d: {  	[sflag:s16] =	ssyncadd.s32 $0xFFFFD800  }
0x4e: {  	s23 =	simm.s32 $0x0;
	[bflag:$0x0] =	sbarrier.arrive $0xFFFF  }
.LBB2_6:
0x4f: {  	s24 =	sshll.u32 s23, $0xB  }
0x50: {  	s24 =	sadd.s32 s8, s24  }
0x51: {  	s24 =	sshrl.u32 s24, $0x3  }
0x52: {  	s25 =	sadd.s32 s4, s24  }
0x53: {  	[tilespmem:s2], [sflag:$0x2] =	stream.linear.gather [hbm4b:s25+s2], $0x800, $0x38;
	[tilespmem:$0x1D000] =	vst v63  }
0x54: {  	_ =	swait.ge [sflag:s16], $0x800  }
0x55: {  	[sflag:s16] =	ssyncset.done $0x0  }
0x56: {  	s24 =	sadd.s32 s5, s24;
	s25 =	simm.s32 $0x800;
	[sflag:s16] =	ssyncadd.s32 $0xFFFFF800  }
0x57: {  	[tilespmem:s25], [sflag:$0x2] =	stream.linear.gather [hbm4b:s24+s2], $0x800, $0x38;
	[tilespmem:$0x1D000] =	vst v63  }
0x58: {  	s26 =	simm.s32 $0x10000;
	_ =	swait.ge [sflag:s16], $0x800  }
0x59: {  	s26 =	sand.u32 $0x10000, s26;
	[sflag:s16] =	ssyncset.done $0x0  }
0x5a: {  	s31 =	simm.s32 $0x80;
	s26 =	sshrl.u32 s26, $0x2;
	[sflag:s16] =	ssyncadd.s32 $0xFFFFF800  }
0x5b: {  	[tilespmem:s17], [sflag:$0x1] =	stream.indirect.gather [hbm4b:s12+s31], $0x80, s2, s31, $0xb8;
	[tilespmem:$0x1D000] =	vst v63  }
0x5c: {  	s28 =	simm.s32 $0x0;
	s26 =	sor.u32 $0x1000, s26  }
0x5d: {  	[tilespmem:s26], [sflag:$0x1] =	stream.indirect.gather [hbm4b:s12+s18], $0x80, s31, s18, $0xb8;
	[tilespmem:$0x1D000] =	vst v63  }
0x5e: {  	s30 =	sand.u32 $0x10000, s28;
	_ =	swait.ge [sflag:s19], $0x4000  }
0x5f: {  	s24 =	simm.s32 $0x20000;
	s26 =	sshrl.u32 s30, $0x2;
	[sflag:s19] =	ssyncset.done $0x0  }
0x60: {  	s31 =	sand.u32 $0x10000, s24;
	s26 =	sor.u32 $0x1000, s26;
	[sflag:s19] =	ssyncadd.s32 $0xFFFFC000  }
0x61: {  	[spmem:s1] =	stream.indirect.scatter.add.f32 [tilespmem:s26], [sflag:$0x2], $0x80, s25, s18, $0xb8;
	[tilespmem:$0x1D000] =	vst v63  }
0x62: {  	s28 =	simm.s32 $0x30000;
	s29 =	sshrl.u32 s31, $0x2;
	_ =	swait.ge [sflag:s16], $0x4000  }
0x63: {  	s26 =	simm.s32 $0x100;
	s25 =	simm.s32 $0x880;
	[sflag:s16] =	ssyncset.done $0x0  }
.LBB2_7:
0x64: {  	s29 =	sor.u32 $0x1000, s29;
	s30 =	sadd.s32 $0xFFFF0000, s24  }
0x65: {  	[sflag:s16] =	ssyncadd.s32 $0xFFFFC000;
	s24 =	smov.u32 s28;
	s31 =	sadd.s32 $0x10000, s28  }
0x66: {  	[tilespmem:s29], [sflag:$0x1] =	stream.indirect.gather [hbm4b:s12+s18], $0x80, s26, s18, $0xb8;
	[tilespmem:$0x1D000] =	vst v63  }
0x67: {  	p0 =	sne.s32 s28, $0xF0000;
	s29 =	sand.u32 $0x10000, s30;
	_ =	swait.ge [sflag:s19], $0x4000  }
.Ltmp2:
0x68: {  	s29 =	sshrl.u32 s29, $0x2;
	[sflag:s19] =	ssyncset.done $0x0;
	(pc) =	sbr.rel @p0 .LBB2_7-.Ltmp2, $4  }
0x69: {  	s26 =	sadd.s32 $0x80, s26;
	s28 =	sor.u32 $0x1000, s29;
	[sflag:s19] =	ssyncadd.s32 $0xFFFFC000  }
0x6a: {  	[spmem:s1] =	stream.indirect.scatter.add.f32 [tilespmem:s28], [sflag:$0x2], $0x80, s25, s18, $0xb8;
	[tilespmem:$0x1D000] =	vst v63  }
0x6b: {  	s28 =	sand.u32 $0x10000, s24;
	s25 =	sadd.s32 $0x80, s25;
	_ =	swait.ge [sflag:s16], $0x4000  }
0x6c: {  	s29 =	sshrl.u32 s28, $0x2;
	s28 =	smov.u32 s31;
	[sflag:s16] =	ssyncset.done $0x0  }
0x6d: {  	s28 =	sor.u32 $0x1000, s29;
	s24 =	sadd.s32 $0xFFFF0000, s24;
	[sflag:s16] =	ssyncadd.s32 $0xFFFFC000  }
0x6e: {  	[tilespmem:s28], [sflag:$0x1] =	stream.indirect.gather [hbm4b:s12+s18], $0x80, s26, s18, $0xb8;
	[tilespmem:$0x1D000] =	vst v63  }
0x6f: {  	s24 =	sand.u32 $0x10000, s24;
	_ =	swait.ge [sflag:s19], $0x4000  }
0x70: {  	s24 =	sshrl.u32 s24, $0x2;
	[sflag:s19] =	ssyncset.done $0x0  }
0x71: {  	s24 =	sor.u32 $0x1000, s24;
	[sflag:s19] =	ssyncadd.s32 $0xFFFFC000  }
0x72: {  	[spmem:s1] =	stream.indirect.scatter.add.f32 [tilespmem:s24], [sflag:$0x2], $0x80, s25, s18, $0xb8;
	[tilespmem:$0x1D000] =	vst v63  }
0x73: {  	_ =	swait.ge [sflag:s16], $0x4000  }
0x74: {  	[sflag:s16] =	ssyncset.done $0x0  }
0x75: {  	[sflag:s16] =	ssyncadd.s32 $0xFFFFC000  }
0x76: {  	s23 =	sadd.s32 $0x1, s23;
	_ =	swait.ge [sflag:s19], $0x4000  }
0x77: {  	p0 =	sne.s32 s23, $0x5;
	[sflag:s19] =	ssyncset.done $0x0  }
.Ltmp3:
0x78: {  	[sflag:s19] =	ssyncadd.s32 $0xFFFFC000;
	(pc) =	sbr.rel @p0 .LBB2_6-.Ltmp3, $4  }
0x79: {  	[spmem:s1] =	stream.indirect.scatter.add.f32 [tilespmem:s21], [sflag:$0x2], $0x80, s20, s18, $0xb8;
	[tilespmem:$0x1D000] =	vst v63  }
0x7a: {  	_ =	swait.ge [sflag:s16], $0x4000  }
0x7b: {  	[sflag:s16] =	ssyncset.done $0x0  }
0x7c: {  	[sflag:s16] =	ssyncadd.s32 $0xFFFFC000  }
0x7d: {  	s22 =	sadd.s32 $0x1, s22  }
0x7e: {  	p0 =	sne.s32 s22, s14  }
.Ltmp4:
0x7f: {  	[bflag:$0x0] =	sbarrier.arrive $0xFFFF;
	(pc) =	sbr.rel @p0 .LBB2_1-.Ltmp4, $4  }
0x80: {  	[hbm:s13], [sflag:s7] =	dma.local [spmem:s15], $0x2800  }
0x81: {  	_ =	swait.ge [sflag:s16], $0x2800  }
0x82: {  	[sflag:s16] =	ssyncset.done $0x0  }
0x83: {  	[sflag:s16] =	ssyncadd.s32 $0xFFFFD800  }
0x84: {  	_ =	sfence.sel $0x180000  }
0x85: {  	[bflag:$0x0] =	sbarrier.arrive $0xFFFF  }
0x86: {  	p0 =	sne.s32 s3, $0x0;
	_ =	strace $0x9000004D  }
0x87: {  	s0 =	sadd.s32 @!p0 $0x100000, s0;
	[bflag:$0x2] =	sbarrier.arrive $0xFFFF  }
0x88: {  	[sflag:s0] =	ssyncadd.tile.s32 @!p0 $0x1;
	_ =	shalt  }
.Lfunc_end2:
_tile_overlayer_lowered:
.L_overlay_start_2:
0x89: {  	(tag) =	ssettag $0x2  }
0x8a: {  	s0 =	rddreg [dreg:$0x0];
	s2 =	stileid.u32  }
0x8b: {  	s1 =	rddreg [dreg:$0x1];
	p0 =	sne.s32 s2, $0x0  }
0x8c: {  	s3 =	rddreg [dreg:$0x2];
	[bflag:$0x3] =	sbarrier.arrive $0xFFFF;
	s2 =	simm.s32 @!p0 $0x1C02  }
0x8d: {  	[timem:s3], [sflag:s2] =	dma.local @!p0 [hbm:s0], s1  }
0x8e: {  	s0 =	simm.s32 @!p0 $0x2  }
0x8f: {  	_ =	swait.ge @!p0 [sflag:s0], s1  }
0x90: {  	s1 =	ssub.s32 @!p0 $0x0, s1;
	[sflag:s0] =	ssyncset.done @!p0 $0x0  }
0x91: {  	[sflag:s0] =	ssyncadd.s32 @!p0 s1  }
0x92: {  	[bflag:$0x3] =	sbarrier.arrive $0xFFFF  }
0x93: {  	_ =	shalt  }

// kernel: kernel.8.cloned.1.call-start
scs
__scs_entry_jumppad:
0x0: {  	(pc) =	sbr.rel $0x88, $3  }
0x1: {  	(tag) =	ssettag $0x0;
	lr =	simm.s32 $0x1  }
0x2: {  	[smem:$0x3F99] =	sst lr;
	_ =	strace $0xD0000000  }
0x3: {  	_ = 	snop  }
0x4: {  	_ = 	snop  }
0x5: {  	_ = 	snop  }
0x6: {  	_ = 	snop  }
0x7: {  	_ = 	snop  }
__scs_overlays_trampoline_lowered:
0x8: {  	[smem:$0x3FA8] =	sst s0  }
0x9: {  	[smem:$0x3FA9] =	sst s1  }
0xa: {  	[smem:$0x3FAA] =	sst s2  }
0xb: {  	[smem:$0x3FAB] =	sst s3  }
0xc: {  	[smem:$0x3FAC] =	sst s4  }
0xd: {  	[smem:$0x3FAD] =	sst s5  }
0xe: {  	[smem:$0x3FAE] =	sst s6  }
0xf: {  	[smem:$0x3FAF] =	sst s7  }
0x10: {  	[smem:$0x3FB0] =	sst s8  }
0x11: {  	[smem:$0x3FB1] =	sst s9;
	s0 =	simm.s32 @!p0 $0x0  }
0x12: {  	s1 =	sld [smem:$0x3F97];
	s0 =	simm.s32 @p0 $0x1  }
0x13: {  	[smem:$0x3FB2] =	sst s0;
	s0 =	simm.s32 @!p1 $0x0  }
0x14: {  	s2 =	sld [smem:$0x3F96];
	s0 =	simm.s32 @p1 $0x1  }
0x15: {  	[smem:$0x3FB3] =	sst s0;
	s0 =	simm.s32 @!p2 $0x0  }
0x16: {  	s3 =	sld [smem:$0x3FDB];
	s0 =	simm.s32 @p2 $0x1  }
0x17: {  	s4 =	simm.s32 $0x1BF5;
	[smem:$0x3FB5] =	sst s0  }
0x18: {  	s0 =	sld [smem:$0x3F98];
	_ =	swait.ge [sflag:s4], $0x0  }
0x19: {  	s7 =	sld [smem:$0x3F99]  }
0x1a: {  	s8 =	sadd.s32 $0xFFFFE003, lr  }
0x1b: {  	s9 =	sadd.s32 $0xFFFFFEF7, lr;
	s5 =	simm.s32 $0xFFFFFFFF;
	p2 =	slt.u32 s8, $0xFFFFF086  }
0x1c: {  	p1 =	slt.u32 s9, $0xF7A;
	s5 =	simm.s32 @!p2 $0x0  }
0x1d: {  	s5 =	simm.s32 @p1 $0x1;
	p0 =	seq.s32 s7, s2  }
0x1e: {  	s7 =	smul.u32 @!p0 $0xF7A, s2;
	p2 =	seq.s32 @!p0 s5, $0x0  }
0x1f: {  	s9 =	smul.u32 $0xF7A, s1;
	s8 =	simm.s32 @!p0 $0x1BF5;
	p2 =	por !p2, p0  }
0x20: {  	[sflag:s8] =	ssyncset.s32 @!p0 $0xFFFFF086;
	s6 =	sadd.s32 @!p0 s3, s7;
	s7 =	simm.s32 @!p0 $0x108  }
0x21: {  	s3 =	sadd.s32 s3, s9;
	s6 =	sadd.s32 @!p0 $0x88, s6;
	s7 =	simm.s32 @p2 $0x1082  }
0x22: {  	[simem:s7], [sflag:s8] =	dma.local @!p0 [hbm:s6], $0xF7A  }
0x23: {  	s9 =	sor.u32 $0xD0000000, s2;
	s6 =	simm.s32 $0x108;
	_ =	swait.ge @!p0 [sflag:s8], $0x0  }
0x24: {  	s3 =	sadd.s32 $0x88, s3;
	s6 =	simm.s32 @!p1 $0x1082;
	[sflag:s4] =	ssyncset.s32 $0xFFFFF086  }
0x25: {  	[simem:s6], [sflag:s4] =	dma.local [hbm:s3], $0xF7A  }
0x26: {  	[smem:$0x3F99] =	sst s1;
	(tag) =	ssettag s2;
	_ =	strace s9  }
0x27: {  	s1 =	sld [smem:$0x3FA9]  }
0x28: {  	s2 =	sld [smem:$0x3FAA]  }
0x29: {  	s4 =	sld [smem:$0x3FAC]  }
0x2a: {  	p0 =	seq.s32 s5, $0x0;
	s5 =	sld [smem:$0x3FAD]  }
0x2b: {  	s6 =	sld [smem:$0x3FAE]  }
0x2c: {  	s7 =	sld [smem:$0x3FAF]  }
0x2d: {  	s3 =	simm.s32 $0x108;
	s8 =	sld [smem:$0x3FB0]  }
0x2e: {  	s3 =	simm.s32 @!p0 $0x1082;
	s9 =	sld [smem:$0x3FB1]  }
0x2f: {  	lr =	sadd.s32 s0, s3;
	s0 =	sld [smem:$0x3FA8]  }
0x30: {  	s3 =	sld [smem:$0x3FAB]  }
0x31: {  	[smem:$0x3FB4] =	sst s10  }
0x32: {  	s10 =	sld [smem:$0x3FB2];
	_ =	sdelay $0x3  }
0x33: {  	p0 =	seq.s32 s10, $0x1;
	s10 =	sld [smem:$0x3FB4];
	_ =	sdelay $0x3  }
0x34: {  	[smem:$0x3FB4] =	sst s10  }
0x35: {  	s10 =	sld [smem:$0x3FB3];
	_ =	sdelay $0x3  }
0x36: {  	p1 =	seq.s32 s10, $0x1;
	s10 =	sld [smem:$0x3FB4];
	_ =	sdelay $0x3  }
0x37: {  	[smem:$0x3FB4] =	sst s10  }
0x38: {  	s10 =	sld [smem:$0x3FB5]  }
0x39: {  	_ = 	snop;
	(pc) =	sbr.ind lr, $3  }
0x3a: {  	_ = 	snop  }
0x3b: {  	_ = 	snop  }
0x3c: {  	p2 =	seq.s32 s10, $0x1;
	s10 =	sld [smem:$0x3FB4]  }
0x3d: {  	_ =	shalt  }
0x3e: {  	_ =	shalt  }
0x3f: {  	_ =	shalt  }
0x40: {  	_ =	shalt  }
0x41: {  	_ =	shalt  }
0x42: {  	_ =	shalt  }
0x43: {  	_ =	shalt  }
0x44: {  	_ =	shalt  }
0x45: {  	_ =	shalt  }
0x46: {  	_ =	shalt  }
0x47: {  	_ =	shalt  }
0x48: {  	_ =	shalt  }
0x49: {  	_ =	shalt  }
0x4a: {  	_ =	shalt  }
0x4b: {  	_ =	shalt  }
0x4c: {  	_ =	shalt  }
0x4d: {  	_ =	shalt  }
0x4e: {  	_ =	shalt  }
0x4f: {  	_ =	shalt  }
0x50: {  	_ =	shalt  }
0x51: {  	_ =	shalt  }
0x52: {  	_ =	shalt  }
0x53: {  	_ =	shalt  }
0x54: {  	_ =	shalt  }
0x55: {  	_ =	shalt  }
0x56: {  	_ =	shalt  }
0x57: {  	_ =	shalt  }
0x58: {  	_ =	shalt  }
0x59: {  	_ =	shalt  }
0x5a: {  	_ =	shalt  }
0x5b: {  	_ =	shalt  }
0x5c: {  	_ =	shalt  }
0x5d: {  	_ =	shalt  }
0x5e: {  	_ =	shalt  }
0x5f: {  	_ =	shalt  }
0x60: {  	_ =	shalt  }
0x61: {  	_ =	shalt  }
0x62: {  	_ =	shalt  }
0x63: {  	_ =	shalt  }
0x64: {  	_ =	shalt  }
0x65: {  	_ =	shalt  }
0x66: {  	_ =	shalt  }
0x67: {  	_ =	shalt  }
0x68: {  	_ =	shalt  }
0x69: {  	_ =	shalt  }
0x6a: {  	_ =	shalt  }
0x6b: {  	_ =	shalt  }
0x6c: {  	_ =	shalt  }
0x6d: {  	_ =	shalt  }
0x6e: {  	_ =	shalt  }
0x6f: {  	_ =	shalt  }
0x70: {  	_ =	shalt  }
0x71: {  	_ =	shalt  }
0x72: {  	_ =	shalt  }
0x73: {  	_ =	shalt  }
0x74: {  	_ =	shalt  }
0x75: {  	_ =	shalt  }
0x76: {  	_ =	shalt  }
0x77: {  	_ =	shalt  }
0x78: {  	_ =	shalt  }
0x79: {  	_ =	shalt  }
0x7a: {  	_ =	shalt  }
0x7b: {  	_ =	shalt  }
0x7c: {  	_ =	shalt  }
0x7d: {  	_ =	shalt  }
0x7e: {  	_ =	shalt  }
0x7f: {  	_ =	shalt  }
0x80: {  	_ =	shalt  }
0x81: {  	_ =	shalt  }
0x82: {  	_ =	shalt  }
0x83: {  	_ =	shalt  }
0x84: {  	_ =	shalt  }
0x85: {  	_ =	shalt  }
0x86: {  	_ =	shalt  }
0x87: {  	_ =	shalt  }
.Lfunc_end0:
.L_simem_size_0:
called_computation_lowered:
.L_overlay_start_0:
0x88: {  	s2 =	sld [smem:$0x3FD9]  }
0x89: {  	s3 =	sld [smem:$0x3FFE];
	_ =	sdelay $0x1  }
0x8a: {  	s1 =	srdreg.scid  }
0x8b: {  	s0 =	sand.u32 $0x1, s1  }
0x8c: {  	s16 =	sshll.u32 s0, $0xA;
	s2 =	sadd.s32 s3, s2  }
0x8d: {  	s2 =	sadd.s32 s2, s16  }
0x8e: {  	[smem:$0x3FC0] =	sst s2  }
0x8f: {  	_ = 	snop  }
0x90: {  	(tm) =	ssettm $0x1  }
0x91: {  	s17 =	sld [smem:$0x3FFB];
	_ =	sdelay $0x3  }
0x92: {  	_ =	strace s17  }
0x93: {  	s2 =	sld [smem:$0x3FFC];
	_ =	sdelay $0x3  }
0x94: {  	_ =	strace s2  }
0x95: {  	s2 =	sld [smem:$0x3FFD];
	_ =	sdelay $0x3  }
0x96: {  	_ =	strace s2  }
0x97: {  	_ =	strace $0x8FFFFFFF  }
0x98: {  	s18 =	sld [smem:$0x3FDB];
	_ =	sdelay $0x1  }
0x99: {  	s19 =	simm.s32 $_scs_section_size  }
0x9a: {  	s4 =	simm.s32 $_size__tile_overlayer_lowered;
	s5 =	simm.s32 $_tile_overlayer_lowered  }
0x9b: {  	s22 =	simm.s32 $0x1BFF;
	s21 =	sshll.u32 s5, $0x1;
	s2 =	sadd.s32 s19, s18  }
0x9c: {  	s6 =	simm.s32 $0x0;
	s20 =	sshll.u32 s4, $0x1;
	s4 =	sadd.s32 s21, s2  }
0x9d: {  	[timem:s6], [sflag:s22] =	dma.local [hbm:s4], s20  }
0x9e: {  	_ =	swait.ge [sflag:s22], s20  }
0x9f: {  	s3 =	ssub.s32 $0x0, s20;
	[sflag:s22] =	ssyncset.done $0x0  }
0xa0: {  	[sflag:s22] =	ssyncadd.s32 s3;
	_ =	sdelay $0x1  }
0xa1: {  	s23 =	simm.s32 $0x1B8B  }
0xa2: {  	_ =	swait.ge [sflag:s23], $0x1  }
0xa3: {  	[sflag:s23] =	ssyncset.done $0x0  }
0xa4: {  	s25 =	simm.s32 $0x1B8E;
	s24 =	sld [smem:$0x3FFE];
	[sflag:s23] =	ssyncadd.s32 $0xFFFFFFFF  }
0xa5: {  	s26 =	simm.s32 $execute0_lowered;
	[smem:$0x3FD2] =	sst s25  }
0xa6: {  	s4 =	sshll.u32 s26, $0x1;
	_ =	strace $0x80000046;
	[dreg:$0x1] =	wrdreg $0xFFFFFFFF  }
0xa7: {  	s28 =	simm.s32 $_size_execute0_lowered;
	s2 =	sadd.s32 s2, s4;
	[dreg:$0x0] =	wrdreg $0x0  }
0xa8: {  	s4 =	sshll.u32 s28, $0x1;
	[dreg:$0x2] =	wrdreg s2  }
0xa9: {  	[dreg:$0x3] =	wrdreg s4  }
0xaa: {  	[dreg:$0x4] =	wrdreg $0xC0  }
0xab: {  	_ =	task [dreg:s6], $0x5FFFF  }
0xac: {  	[dreg:$0x1] =	wrdreg $0xFFFFFFFF  }
0xad: {  	[dreg:$0x0] =	wrdreg $0x60  }
0xae: {  	[dreg:$0x2] =	wrdreg s24  }
0xaf: {  	[dreg:$0x3] =	wrdreg $0x2B000  }
0xb0: {  	[dreg:$0x4] =	wrdreg $0x9  }
0xb1: {  	_ =	task.clear_ibuf [dreg:s6], $0x5FFFF;
	_ =	strace $0x90000046  }
0xb2: {  	s29 =	simm.s32 $0x9;
	_ =	strace $0x80000048  }
0xb3: {  	_ =	swait.ge [sflag:s29], $0x1  }
0xb4: {  	[sflag:s29] =	ssyncadd.s32 $0xFFFFFFFF  }
0xb5: {  	_ =	strace $0x90000048  }
0xb6: {  	_ =	sfence  }
0xb7: {  	s30 =	sld [smem:$0x0];
	_ =	sdelay $0x2  }
0xb8: {  	s31 =	sshll.u32 s1, $0xD;
	s1 =	sshrl.u32 s1, $0x2  }
0xb9: {  	s3 =	sand.u32 $0x4000, s31;
	s1 =	sadd.s32 s1, s30  }
0xba: {  	s0 =	sor.u32 s3, s0;
	s1 =	sshll.u32 s1, $0x11  }
0xbb: {  	s0 =	sor.u32 s1, s0  }
0xbc: {  	s0 =	sadd.s32 $0x8F2B, s0  }
0xbd: {  	[sflag:s0] =	ssyncadd.remote.s32 $0x1  }
0xbe: {  	_ =	sfence.sel $0xFFFF  }
0xbf: {  	[dreg:$0x0] =	wrdreg $0xFFFFFFFF;
	(pc) =	sbr.abs _section_cstart, $3  }
0xc0: {  	[dreg:$0x1] =	wrdreg $0xFFFFFFFF  }
0xc1: {  	_ =	task.clear_ibuf [dreg:s6], $0x2FFFF;
	_ =	strace $0x9FFFFFFF  }
0xc2: {  	(tm) =	ssettm $0x7FFFFFFF  }
0xc3: {  	_ =	shalt  }
tec
execute0_lowered:
.L_overlay_start_1:
0x0: {  	(tag) =	ssettag $0x1  }
0x1: {  	s1 =	srdreg.scid  }
0x2: {  	s1 =	sand.u32 $0x1, s1  }
0x3: {  	p0 =	seq.s32 s1, $0x1  }
.Ltmp0:
0x4: {  	_ = 	snop;
	(pc) =	sbr.rel @p0 .LBB2_4-.Ltmp0, $4  }
0x5: {  	s3 =	rddreg [dreg:$0x0]  }
0x6: {  	s2 =	rddreg [dreg:$0x1];
	s4 =	simm.s32 $0x0  }
0x7: {  	[smem:$0x7FF] =	sst s4  }
0x8: {  	s0 =	rddreg [dreg:$0x2];
	_ =	strace $0x80000047;
	s1 =	stileid.u32  }
0x9: {  	v0 =	vimm.f32 $1.000000000e+00  }
0xa: {  	[tilespmem:$0x2800] =	vst v0  }
0xb: {  	[tilespmem:$0x2810] =	vst v0  }
0xc: {  	[tilespmem:$0x2820] =	vst v0  }
0xd: {  	[tilespmem:$0x2830] =	vst v0  }
0xe: {  	[tilespmem:$0x2840] =	vst v0  }
0xf: {  	[tilespmem:$0x2850] =	vst v0  }
0x10: {  	[tilespmem:$0x2860] =	vst v0  }
0x11: {  	[tilespmem:$0x2870] =	vst v0  }
0x12: {  	[tilespmem:$0x2880] =	vst v0  }
0x13: {  	[tilespmem:$0x2890] =	vst v0  }
0x14: {  	[tilespmem:$0x28A0] =	vst v0  }
0x15: {  	[tilespmem:$0x28B0] =	vst v0  }
0x16: {  	[tilespmem:$0x28C0] =	vst v0  }
0x17: {  	[tilespmem:$0x28D0] =	vst v0  }
0x18: {  	[tilespmem:$0x28E0] =	vst v0  }
0x19: {  	[tilespmem:$0x28F0] =	vst v0  }
0x1a: {  	[tilespmem:$0x2900] =	vst v0  }
0x1b: {  	[tilespmem:$0x2910] =	vst v0  }
0x1c: {  	[tilespmem:$0x2920] =	vst v0  }
0x1d: {  	[tilespmem:$0x2930] =	vst v0  }
0x1e: {  	[tilespmem:$0x2940] =	vst v0  }
0x1f: {  	[tilespmem:$0x2950] =	vst v0  }
0x20: {  	[tilespmem:$0x2960] =	vst v0  }
0x21: {  	[tilespmem:$0x2970] =	vst v0  }
0x22: {  	[tilespmem:$0x2980] =	vst v0  }
0x23: {  	[tilespmem:$0x2990] =	vst v0  }
0x24: {  	[tilespmem:$0x29A0] =	vst v0  }
0x25: {  	[tilespmem:$0x29B0] =	vst v0  }
0x26: {  	[tilespmem:$0x29C0] =	vst v0  }
0x27: {  	[tilespmem:$0x29D0] =	vst v0  }
0x28: {  	[tilespmem:$0x29E0] =	vst v0  }
0x29: {  	[tilespmem:$0x29F0] =	vst v0  }
0x2a: {  	[tilespmem:$0x2A00] =	vst v0  }
0x2b: {  	[tilespmem:$0x2A10] =	vst v0  }
0x2c: {  	[tilespmem:$0x2A20] =	vst v0  }
0x2d: {  	[tilespmem:$0x2A30] =	vst v0  }
0x2e: {  	[tilespmem:$0x2A40] =	vst v0  }
0x2f: {  	[tilespmem:$0x2A50] =	vst v0  }
0x30: {  	[tilespmem:$0x2A60] =	vst v0  }
0x31: {  	[tilespmem:$0x2A70] =	vst v0  }
0x32: {  	[tilespmem:$0x2A80] =	vst v0  }
0x33: {  	[tilespmem:$0x2A90] =	vst v0  }
0x34: {  	[tilespmem:$0x2AA0] =	vst v0  }
0x35: {  	[tilespmem:$0x2AB0] =	vst v0  }
0x36: {  	[tilespmem:$0x2AC0] =	vst v0  }
0x37: {  	s5 =	smul.u32 $0x500, s1;
	[tilespmem:$0x2AD0] =	vst v0  }
0x38: {  	s6 =	sadd.s32 $0x1000, s3;
	[tilespmem:$0x2AE0] =	vst v0  }
0x39: {  	[tilespmem:$0x2AF0] =	vst v0;
	s5 =	sadd.s32 s6, s5  }
0x3a: {  	[tilespmem:s4], [sflag:$0x1] =	stream.linear.gather [hbm4b:s5+s4], $0x2800, $0x38;
	[tilespmem:$0x2D80] =	vst v63  }
0x3b: {  	s5 =	simm.s32 $0x1  }
0x3c: {  	s8 =	smul.u32 $0x280, s1;
	_ =	swait.ge [sflag:s5], $0x2800  }
0x3d: {  	[sflag:s5] =	ssyncset.done $0x0  }
0x3e: {  	s30 =	simm.s32 $0x2800;
	s4 =	sadd.s32 s8, s2;
	[sflag:s5] =	ssyncadd.s32 $0xFFFFD800  }
0x3f: {  	[spmem:s4] =	stream.linear.scatter [tilespmem:s30], [sflag:$0x1], $0x280, $0x38;
	[tilespmem:$0x2D80] =	vst v63  }
0x40: {  	_ =	swait.ge [sflag:s5], $0x280  }
0x41: {  	[sflag:s5] =	ssyncset.done $0x0  }
0x42: {  	s7 =	simm.s32 $0x2A80;
	s9 =	simm.s32 $0x0;
	[sflag:s5] =	ssyncadd.s32 $0xFFFFFD80  }
0x43: {  	s6 =	simm.s32 $0x80;
	s8 =	sshrl.u32 s8, $0x3;
	[bflag:$0x0] =	sbarrier.arrive $0xFFFF  }
0x44: {  	[spmem:s2] =	stream.indirect.scatter.add.f32 [tilespmem:s7], [sflag:$0x1], $0x1, s9, s6, $0xb8;
	[tilespmem:$0x2D80] =	vst v63  }
0x45: {  	s31 =	sadd.s32 s8, s3;
	_ =	swait.ge [sflag:s5], $0x80  }
0x46: {  	s8 =	simm.s32 $0x200;
	s3 =	sadd.s32 $0x6000, s31;
	[sflag:s5] =	ssyncset.done $0x0  }
.LBB2_2:
0x47: {  	s9 =	sshra.s32 s8, $0x2;
	[sflag:s5] =	ssyncadd.s32 $0xFFFFFF80;
	p0 =	sne.s32 s8, $0x9E00  }
0x48: {  	[spmem:s2] =	stream.indirect.scatter.add.f32 [tilespmem:s7], [sflag:$0x1], $0x1, s9, s6, $0xb8;
	[tilespmem:$0x2D80] =	vst v63  }
.Ltmp1:
0x49: {  	_ = 	snop;
	(pc) =	sbr.rel @p0 .LBB2_2-.Ltmp1, $4  }
0x4a: {  	_ = 	snop  }
0x4b: {  	s8 =	sadd.s32 $0x200, s8  }
0x4c: {  	_ =	swait.ge [sflag:s5], $0x80  }
0x4d: {  	[sflag:s5] =	ssyncset.done $0x0  }
0x4e: {  	[sflag:s5] =	ssyncadd.s32 $0xFFFFFF80;
	s2 =	sshll.u32 s1, $0x6;
	s4 =	sshrl.u32 s4, $0x3  }
0x4f: {  	s31 =	simm.s32 $0x1;
	[bflag:$0x0] =	sbarrier.arrive $0xFFFF;
	s2 =	sor.u32 $0x1C01, s2  }
0x50: {  	[hbm:s3], [sflag:s2] =	dma.local [spmem:s4], $0x50  }
0x51: {  	_ =	swait.ge [sflag:s31], $0x50  }
0x52: {  	[sflag:s31] =	ssyncset.done $0x0  }
0x53: {  	[sflag:s31] =	ssyncadd.s32 $0xFFFFFFB0  }
.LBB2_4:
0x54: {  	_ =	sfence.sel $0x180000  }
0x55: {  	[bflag:$0x0] =	sbarrier.arrive $0xFFFF  }
0x56: {  	p0 =	sne.s32 s1, $0x0;
	_ =	strace $0x90000047  }
0x57: {  	s0 =	sadd.s32 @!p0 $0x100000, s0;
	[bflag:$0x2] =	sbarrier.arrive $0xFFFF  }
0x58: {  	[sflag:s0] =	ssyncadd.tile.s32 @!p0 $0x1;
	_ =	shalt  }
.Lfunc_end2:
_tile_overlayer_lowered:
.L_overlay_start_2:
0x59: {  	(tag) =	ssettag $0x2  }
0x5a: {  	s0 =	rddreg [dreg:$0x0];
	s2 =	stileid.u32  }
0x5b: {  	s1 =	rddreg [dreg:$0x1];
	p0 =	sne.s32 s2, $0x0  }
0x5c: {  	s3 =	rddreg [dreg:$0x2];
	[bflag:$0x3] =	sbarrier.arrive $0xFFFF;
	s2 =	simm.s32 @!p0 $0x1C01  }
0x5d: {  	[timem:s3], [sflag:s2] =	dma.local @!p0 [hbm:s0], s1  }
0x5e: {  	s0 =	simm.s32 @!p0 $0x1  }
0x5f: {  	_ =	swait.ge @!p0 [sflag:s0], s1  }
0x60: {  	s1 =	ssub.s32 @!p0 $0x0, s1;
	[sflag:s0] =	ssyncset.done @!p0 $0x0  }
0x61: {  	[sflag:s0] =	ssyncadd.s32 @!p0 s1  }
0x62: {  	[bflag:$0x3] =	sbarrier.arrive $0xFFFF  }
0x63: {  	_ =	shalt  }

</sc_bundles>
